<compile_context>
chip_gen: v7x
topology: tpu7x:2x2x1
jax: 0.10.2.dev20260603
libtpu: 0.0.44.dev20260713+nightly
codegen_flags: <defaults>
</compile_context>

<pallas_src>
import functools

import jax
import jax.numpy as jnp
from jax import lax
from jax.experimental import pallas as pl
from jax.experimental.pallas import tpu as pltpu
from jax.experimental.pallas import tpu_sc as plsc

VOCAB = 1000000
EMBED_DIM = 32
BATCH = 4096
SEQ_LEN = 200

N_IDX = BATCH * SEQ_LEN
NUM_CORES = 2
NUM_SUBCORES = 16
NW = NUM_CORES * NUM_SUBCORES
CHUNK = 128
NCH = SEQ_LEN
NBUF = 8
LOOKAHEAD = 4

_MESH = plsc.VectorSubcoreMesh(
    core_axis_name="c", subcore_axis_name="s",
    num_cores=NUM_CORES, num_subcores=NUM_SUBCORES,
)


@functools.partial(
    pl.kernel,
    out_type=jax.ShapeDtypeStruct((SEQ_LEN, BATCH, EMBED_DIM), jnp.float32),
    mesh=_MESH,
    scratch_types=[
        pltpu.VMEM((NCH, CHUNK), jnp.int32),
        pltpu.VMEM((NBUF, CHUNK, EMBED_DIM), jnp.float32),
        pltpu.SemaphoreType.DMA((NBUF,)),
        pltpu.SemaphoreType.DMA((NBUF,)),
    ],
    compiler_params=pltpu.CompilerParams(use_tc_tiling_on_sc=False),
)
def _sc_gather(data_hbm, table_hbm, out_hbm, idx_v, rows_v, gsem, wsem):
    wid = lax.axis_index("s") * NUM_CORES + lax.axis_index("c")
    b0 = wid * CHUNK
    pltpu.sync_copy(data_hbm.at[:, wid], idx_v)

    for b in range(LOOKAHEAD):
        pltpu.async_copy(table_hbm.at[idx_v.at[b]], rows_v.at[b], gsem.at[b])

    @pl.loop(0, NCH)
    def _(j):
        b = lax.rem(j, NBUF)
        pltpu.make_async_copy(
            table_hbm.at[idx_v.at[j]], rows_v.at[b], gsem.at[b]).wait()
        pltpu.async_copy(
            rows_v.at[b], out_hbm.at[j, pl.ds(b0, CHUNK)], wsem.at[b])

        jg = j + LOOKAHEAD
        bg = lax.rem(jg, NBUF)

        @pl.when(jg < NCH)
        def _():
            @pl.when(jg >= NBUF)
            def _():
                jw = jg - NBUF
                pltpu.make_async_copy(
                    rows_v.at[bg],
                    out_hbm.at[jw, pl.ds(b0, CHUNK)],
                    wsem.at[bg]).wait()

            pltpu.async_copy(
                table_hbm.at[idx_v.at[jg]], rows_v.at[bg], gsem.at[bg])

    for t in range(NBUF):
        jw = NCH - NBUF + t
        b = jw % NBUF
        pltpu.make_async_copy(
            rows_v.at[b], out_hbm.at[jw, pl.ds(b0, CHUNK)],
            wsem.at[b]).wait()


def kernel(data, table):
    data_sm = jnp.transpose(data).reshape(SEQ_LEN, NW, CHUNK).astype(jnp.int32)
    out_sm = _sc_gather(data_sm, table)
    return jnp.transpose(out_sm, (1, 0, 2))

# --- scband reference (transcript-rebuilt; emitter-appended) ---
"""Pipeline reference for scband-var-embedding-15891378995610 (READ-ONLY COPY).

The authoritative reference and input builder live on the scoring server;
editing this copy changes nothing except your own understanding.
"""

import jax, jax.numpy as jnp
import numpy as np

VOCAB = 1000000
EMBED_DIM = 32
BATCH = 4096
SEQ_LEN = 200


def setup_inputs(seed: int = 0) -> dict:
    key = jax.random.key(seed)
    k1, k2 = jax.random.split(key)
    data = jax.random.randint(k1, (BATCH, SEQ_LEN), 0, VOCAB, dtype=jnp.int64 if jax.config.jax_enable_x64 else jnp.int32)
    table = jax.random.normal(k2, (VOCAB, EMBED_DIM), dtype=jnp.float32)
    return {"data": data, "table": table}


def reference(data, table):
    # VarEmbedding.lookup: var = word_representer() -> table [V, D]
    embedding_size = table.shape[1]
    if data.ndim == 2:
        batch_size, seq_len = data.shape
        flat = data.reshape(-1)
        var_data = jnp.take(table, flat, axis=0)
        var_data = var_data.reshape(batch_size, seq_len, embedding_size)
    else:
        var_data = jnp.take(table, data, axis=0)
    return var_data

if __name__ == "__main__":
    import jax
    _d = setup_inputs()
    print(jax.jit(kernel)(*tuple(_d.values())))

</pallas_src>

<mosaic_0001>
#map = affine_map<(d0, d1) -> (0, 0, 0)>
#map1 = affine_map<(d0, d1) -> (0, 0)>
module attributes {stable_mosaic.version = 14 : i64} {
  func.func @_sc_gather(%arg0: i32, %arg1: i32, %arg2: memref<200x32x128xi32, #tpu.memory_space<hbm>>, %arg3: memref<1000000x32xf32, #tpu.memory_space<hbm>>, %arg4: memref<200x4096x32xf32, #tpu.memory_space<hbm>>, %arg5: memref<200x128xi32, #tpu.memory_space<vmem>>, %arg6: memref<8x128x32xf32, #tpu.memory_space<vmem>>, %arg7: memref<8x!tpu.dma_semaphore, #tpu.memory_space<semaphore_mem>>, %arg8: memref<8x!tpu.dma_semaphore, #tpu.memory_space<semaphore_mem>>) attributes {dimension_semantics = [#tpu.dimension_semantics<core_parallel>, #tpu.dimension_semantics<subcore_parallel>], iteration_bounds = array<i64: 2, 16>, scalar_prefetch = 0 : i64, scratch_operands = 4 : i64, tpu.core_type = #tpu.core_type<sc_vector_subcore>, window_params = [{transform_indices = #map}, {transform_indices = #map1}, {transform_indices = #map}]} {
    %mul3A = arith.constant 2 : i32
    %mul3A_0 = arith.muli %arg1, %mul3A : i32
    %add3A = arith.addi %mul3A_0, %arg0 : i32
    %mul3A_1 = arith.constant 128 : i32
    %mul3A_2 = arith.muli %add3A, %mul3A_1 : i32
    "tpu.region"() ({
      %run_scoped3A = tpu.sem_alloc : memref<!tpu.dma_semaphore, #tpu.memory_space<semaphore_mem>>
      %dma_start3A_217 = arith.constant 0 : i32
      %dma_start3A_218 = arith.constant 0 : i32
      %dma_start3A_219 = tpu.memref_slice %arg2[%dma_start3A_217, %add3A, %dma_start3A_218] : memref<200x32x128xi32, #tpu.memory_space<hbm>> -> memref<200x1x128xi32, #tpu.memory_space<hbm>>
      %dma_start3A_220 = tpu.memref_squeeze %dma_start3A_219 : memref<200x1x128xi32, #tpu.memory_space<hbm>> -> memref<200x128xi32, #tpu.memory_space<hbm>>
      %dma_start3A_221 = arith.constant 0 : i32
      %dma_start3A_222 = arith.constant 0 : i32
      %dma_start3A_223 = tpu.memref_slice %arg2[%dma_start3A_221, %add3A, %dma_start3A_222] : memref<200x32x128xi32, #tpu.memory_space<hbm>> -> memref<200x1x128xi32, #tpu.memory_space<hbm>>
      %dma_start3A_224 = tpu.memref_squeeze %dma_start3A_223 : memref<200x1x128xi32, #tpu.memory_space<hbm>> -> memref<200x128xi32, #tpu.memory_space<hbm>>
      tpu.enqueue_dma source(%dma_start3A_224 : memref<200x128xi32, #tpu.memory_space<hbm>>) target(%arg5 : memref<200x128xi32, #tpu.memory_space<vmem>>) target_semaphore(%run_scoped3A : memref<!tpu.dma_semaphore, #tpu.memory_space<semaphore_mem>>)
      %dma_wait3A_225 = arith.constant 0 : i32
      %dma_wait3A_226 = arith.constant 0 : i32
      %dma_wait3A_227 = tpu.memref_slice %arg2[%dma_wait3A_225, %add3A, %dma_wait3A_226] : memref<200x32x128xi32, #tpu.memory_space<hbm>> -> memref<200x1x128xi32, #tpu.memory_space<hbm>>
      %dma_wait3A_228 = tpu.memref_squeeze %dma_wait3A_227 : memref<200x1x128xi32, #tpu.memory_space<hbm>> -> memref<200x128xi32, #tpu.memory_space<hbm>>
      %dma_wait3A_229 = arith.constant 0 : i32
      %dma_wait3A_230 = arith.constant 0 : i32
      %dma_wait3A_231 = tpu.memref_slice %arg2[%dma_wait3A_229, %add3A, %dma_wait3A_230] : memref<200x32x128xi32, #tpu.memory_space<hbm>> -> memref<200x1x128xi32, #tpu.memory_space<hbm>>
      %dma_wait3A_232 = tpu.memref_squeeze %dma_wait3A_231 : memref<200x1x128xi32, #tpu.memory_space<hbm>> -> memref<200x128xi32, #tpu.memory_space<hbm>>
      tpu.wait_dma2 semaphore(%run_scoped3A : memref<!tpu.dma_semaphore, #tpu.memory_space<semaphore_mem>>) src(%dma_wait3A_232 : memref<200x128xi32, #tpu.memory_space<hbm>>) dst(%arg5 : memref<200x128xi32, #tpu.memory_space<vmem>>)
      tpu.yield
    }) : () -> ()
    %dma_start3A = arith.constant 0 : i32
    %dma_start3A_3 = arith.constant 0 : i32
    %dma_start3A_4 = arith.constant 0 : i32
    %dma_start3A_5 = arith.constant 0 : i32
    %dma_start3A_6 = arith.constant 0 : i32
    %dma_start3A_7 = tpu.memref_slice %arg6[%dma_start3A_3, %dma_start3A_5, %dma_start3A_6] : memref<8x128x32xf32, #tpu.memory_space<vmem>> -> memref<1x128x32xf32, #tpu.memory_space<vmem>>
    %dma_start3A_8 = tpu.memref_squeeze %dma_start3A_7 : memref<1x128x32xf32, #tpu.memory_space<vmem>> -> memref<128x32xf32, #tpu.memory_space<vmem>>
    %dma_start3A_9 = arith.constant 0 : i32
    %dma_start3A_10 = tpu.memref_slice %arg5[%dma_start3A, %dma_start3A_9] : memref<200x128xi32, #tpu.memory_space<vmem>> -> memref<1x128xi32, #tpu.memory_space<vmem>>
    %dma_start3A_11 = tpu.memref_squeeze %dma_start3A_10 : memref<1x128xi32, #tpu.memory_space<vmem>> -> memref<128xi32, #tpu.memory_space<vmem>>
    %dma_start3A_12 = arith.constant 0 : i32
    %dma_start3A_13 = arith.constant 0 : i32
    %dma_start3A_14 = tpu.memref_slice %arg3[%dma_start3A_12, %dma_start3A_13] : memref<1000000x32xf32, #tpu.memory_space<hbm>> -> memref<1000000x32xf32, #tpu.memory_space<hbm>>
    %dma_start3A_15 = tpu.memref_slice %arg7[%dma_start3A_4] : memref<8x!tpu.dma_semaphore, #tpu.memory_space<semaphore_mem>> -> memref<1x!tpu.dma_semaphore, #tpu.memory_space<semaphore_mem>>
    %dma_start3A_16 = tpu.memref_squeeze %dma_start3A_15 : memref<1x!tpu.dma_semaphore, #tpu.memory_space<semaphore_mem>> -> memref<!tpu.dma_semaphore, #tpu.memory_space<semaphore_mem>>
    tpu.enqueue_indirect_dma source(%dma_start3A_14 : memref<1000000x32xf32, #tpu.memory_space<hbm>>) target(%dma_start3A_8 : memref<128x32xf32, #tpu.memory_space<vmem>>) offsets(%dma_start3A_11 : memref<128xi32, #tpu.memory_space<vmem>>) semaphore(%dma_start3A_16 : memref<!tpu.dma_semaphore, #tpu.memory_space<semaphore_mem>>)
    %dma_start3A_17 = arith.constant 1 : i32
    %dma_start3A_18 = arith.constant 1 : i32
    %dma_start3A_19 = arith.constant 1 : i32
    %dma_start3A_20 = arith.constant 0 : i32
    %dma_start3A_21 = arith.constant 0 : i32
    %dma_start3A_22 = tpu.memref_slice %arg6[%dma_start3A_18, %dma_start3A_20, %dma_start3A_21] : memref<8x128x32xf32, #tpu.memory_space<vmem>> -> memref<1x128x32xf32, #tpu.memory_space<vmem>>
    %dma_start3A_23 = tpu.memref_squeeze %dma_start3A_22 : memref<1x128x32xf32, #tpu.memory_space<vmem>> -> memref<128x32xf32, #tpu.memory_space<vmem>>
    %dma_start3A_24 = arith.constant 0 : i32
    %dma_start3A_25 = tpu.memref_slice %arg5[%dma_start3A_17, %dma_start3A_24] : memref<200x128xi32, #tpu.memory_space<vmem>> -> memref<1x128xi32, #tpu.memory_space<vmem>>
    %dma_start3A_26 = tpu.memref_squeeze %dma_start3A_25 : memref<1x128xi32, #tpu.memory_space<vmem>> -> memref<128xi32, #tpu.memory_space<vmem>>
    %dma_start3A_27 = arith.constant 0 : i32
    %dma_start3A_28 = arith.constant 0 : i32
    %dma_start3A_29 = tpu.memref_slice %arg3[%dma_start3A_27, %dma_start3A_28] : memref<1000000x32xf32, #tpu.memory_space<hbm>> -> memref<1000000x32xf32, #tpu.memory_space<hbm>>
    %dma_start3A_30 = tpu.memref_slice %arg7[%dma_start3A_19] : memref<8x!tpu.dma_semaphore, #tpu.memory_space<semaphore_mem>> -> memref<1x!tpu.dma_semaphore, #tpu.memory_space<semaphore_mem>>
    %dma_start3A_31 = tpu.memref_squeeze %dma_start3A_30 : memref<1x!tpu.dma_semaphore, #tpu.memory_space<semaphore_mem>> -> memref<!tpu.dma_semaphore, #tpu.memory_space<semaphore_mem>>
    tpu.enqueue_indirect_dma source(%dma_start3A_29 : memref<1000000x32xf32, #tpu.memory_space<hbm>>) target(%dma_start3A_23 : memref<128x32xf32, #tpu.memory_space<vmem>>) offsets(%dma_start3A_26 : memref<128xi32, #tpu.memory_space<vmem>>) semaphore(%dma_start3A_31 : memref<!tpu.dma_semaphore, #tpu.memory_space<semaphore_mem>>)
    %dma_start3A_32 = arith.constant 2 : i32
    %dma_start3A_33 = arith.constant 2 : i32
    %dma_start3A_34 = arith.constant 2 : i32
    %dma_start3A_35 = arith.constant 0 : i32
    %dma_start3A_36 = arith.constant 0 : i32
    %dma_start3A_37 = tpu.memref_slice %arg6[%dma_start3A_33, %dma_start3A_35, %dma_start3A_36] : memref<8x128x32xf32, #tpu.memory_space<vmem>> -> memref<1x128x32xf32, #tpu.memory_space<vmem>>
    %dma_start3A_38 = tpu.memref_squeeze %dma_start3A_37 : memref<1x128x32xf32, #tpu.memory_space<vmem>> -> memref<128x32xf32, #tpu.memory_space<vmem>>
    %dma_start3A_39 = arith.constant 0 : i32
    %dma_start3A_40 = tpu.memref_slice %arg5[%dma_start3A_32, %dma_start3A_39] : memref<200x128xi32, #tpu.memory_space<vmem>> -> memref<1x128xi32, #tpu.memory_space<vmem>>
    %dma_start3A_41 = tpu.memref_squeeze %dma_start3A_40 : memref<1x128xi32, #tpu.memory_space<vmem>> -> memref<128xi32, #tpu.memory_space<vmem>>
    %dma_start3A_42 = arith.constant 0 : i32
    %dma_start3A_43 = arith.constant 0 : i32
    %dma_start3A_44 = tpu.memref_slice %arg3[%dma_start3A_42, %dma_start3A_43] : memref<1000000x32xf32, #tpu.memory_space<hbm>> -> memref<1000000x32xf32, #tpu.memory_space<hbm>>
    %dma_start3A_45 = tpu.memref_slice %arg7[%dma_start3A_34] : memref<8x!tpu.dma_semaphore, #tpu.memory_space<semaphore_mem>> -> memref<1x!tpu.dma_semaphore, #tpu.memory_space<semaphore_mem>>
    %dma_start3A_46 = tpu.memref_squeeze %dma_start3A_45 : memref<1x!tpu.dma_semaphore, #tpu.memory_space<semaphore_mem>> -> memref<!tpu.dma_semaphore, #tpu.memory_space<semaphore_mem>>
    tpu.enqueue_indirect_dma source(%dma_start3A_44 : memref<1000000x32xf32, #tpu.memory_space<hbm>>) target(%dma_start3A_38 : memref<128x32xf32, #tpu.memory_space<vmem>>) offsets(%dma_start3A_41 : memref<128xi32, #tpu.memory_space<vmem>>) semaphore(%dma_start3A_46 : memref<!tpu.dma_semaphore, #tpu.memory_space<semaphore_mem>>)
    %dma_start3A_47 = arith.constant 3 : i32
    %dma_start3A_48 = arith.constant 3 : i32
    %dma_start3A_49 = arith.constant 3 : i32
    %dma_start3A_50 = arith.constant 0 : i32
    %dma_start3A_51 = arith.constant 0 : i32
    %dma_start3A_52 = tpu.memref_slice %arg6[%dma_start3A_48, %dma_start3A_50, %dma_start3A_51] : memref<8x128x32xf32, #tpu.memory_space<vmem>> -> memref<1x128x32xf32, #tpu.memory_space<vmem>>
    %dma_start3A_53 = tpu.memref_squeeze %dma_start3A_52 : memref<1x128x32xf32, #tpu.memory_space<vmem>> -> memref<128x32xf32, #tpu.memory_space<vmem>>
    %dma_start3A_54 = arith.constant 0 : i32
    %dma_start3A_55 = tpu.memref_slice %arg5[%dma_start3A_47, %dma_start3A_54] : memref<200x128xi32, #tpu.memory_space<vmem>> -> memref<1x128xi32, #tpu.memory_space<vmem>>
    %dma_start3A_56 = tpu.memref_squeeze %dma_start3A_55 : memref<1x128xi32, #tpu.memory_space<vmem>> -> memref<128xi32, #tpu.memory_space<vmem>>
    %dma_start3A_57 = arith.constant 0 : i32
    %dma_start3A_58 = arith.constant 0 : i32
    %dma_start3A_59 = tpu.memref_slice %arg3[%dma_start3A_57, %dma_start3A_58] : memref<1000000x32xf32, #tpu.memory_space<hbm>> -> memref<1000000x32xf32, #tpu.memory_space<hbm>>
    %dma_start3A_60 = tpu.memref_slice %arg7[%dma_start3A_49] : memref<8x!tpu.dma_semaphore, #tpu.memory_space<semaphore_mem>> -> memref<1x!tpu.dma_semaphore, #tpu.memory_space<semaphore_mem>>
    %dma_start3A_61 = tpu.memref_squeeze %dma_start3A_60 : memref<1x!tpu.dma_semaphore, #tpu.memory_space<semaphore_mem>> -> memref<!tpu.dma_semaphore, #tpu.memory_space<semaphore_mem>>
    tpu.enqueue_indirect_dma source(%dma_start3A_59 : memref<1000000x32xf32, #tpu.memory_space<hbm>>) target(%dma_start3A_53 : memref<128x32xf32, #tpu.memory_space<vmem>>) offsets(%dma_start3A_56 : memref<128xi32, #tpu.memory_space<vmem>>) semaphore(%dma_start3A_61 : memref<!tpu.dma_semaphore, #tpu.memory_space<semaphore_mem>>)
    %scan3A = arith.constant 0 : i32
    %scan3A_62 = arith.constant 200 : i32
    %scan3A_63 = arith.addi %scan3A, %scan3A_62 : i32
    %scan3A_64 = arith.constant 1 : i32
    scf.for %scan3A_217 = %scan3A to %scan3A_63 step %scan3A_64  : i32 {
      %mul3A_218 = arith.constant 1 : i32
      %mul3A_219 = arith.muli %scan3A_217, %mul3A_218 : i32
      %add3A_220 = arith.constant 0 : i32
      %add3A_221 = arith.addi %add3A_220, %mul3A_219 : i32
      %rem3A = arith.constant 8 : i32
      %rem3A_222 = arith.remsi %add3A_221, %rem3A : i32
      %dma_wait3A_223 = arith.constant 0 : i32
      %dma_wait3A_224 = arith.constant 0 : i32
      %dma_wait3A_225 = tpu.memref_slice %arg6[%rem3A_222, %dma_wait3A_223, %dma_wait3A_224] : memref<8x128x32xf32, #tpu.memory_space<vmem>> -> memref<1x128x32xf32, #tpu.memory_space<vmem>>
      %dma_wait3A_226 = tpu.memref_squeeze %dma_wait3A_225 : memref<1x128x32xf32, #tpu.memory_space<vmem>> -> memref<128x32xf32, #tpu.memory_space<vmem>>
      %dma_wait3A_227 = arith.constant 0 : i32
      %dma_wait3A_228 = tpu.memref_slice %arg5[%add3A_221, %dma_wait3A_227] : memref<200x128xi32, #tpu.memory_space<vmem>> -> memref<1x128xi32, #tpu.memory_space<vmem>>
      %dma_wait3A_229 = tpu.memref_squeeze %dma_wait3A_228 : memref<1x128xi32, #tpu.memory_space<vmem>> -> memref<128xi32, #tpu.memory_space<vmem>>
      %dma_wait3A_230 = arith.constant 0 : i32
      %dma_wait3A_231 = arith.constant 0 : i32
      %dma_wait3A_232 = tpu.memref_slice %arg3[%dma_wait3A_230, %dma_wait3A_231] : memref<1000000x32xf32, #tpu.memory_space<hbm>> -> memref<1000000x32xf32, #tpu.memory_space<hbm>>
      %dma_wait3A_233 = tpu.memref_slice %arg7[%rem3A_222] : memref<8x!tpu.dma_semaphore, #tpu.memory_space<semaphore_mem>> -> memref<1x!tpu.dma_semaphore, #tpu.memory_space<semaphore_mem>>
      %dma_wait3A_234 = tpu.memref_squeeze %dma_wait3A_233 : memref<1x!tpu.dma_semaphore, #tpu.memory_space<semaphore_mem>> -> memref<!tpu.dma_semaphore, #tpu.memory_space<semaphore_mem>>
      tpu.wait_indirect_dma semaphore(%dma_wait3A_234 : memref<!tpu.dma_semaphore, #tpu.memory_space<semaphore_mem>>) src(%dma_wait3A_232 : memref<1000000x32xf32, #tpu.memory_space<hbm>>) dst(%dma_wait3A_226 : memref<128x32xf32, #tpu.memory_space<vmem>>)
      %dma_start3A_235 = arith.constant 0 : i32
      %dma_start3A_236 = arith.constant 0 : i32
      %dma_start3A_237 = tpu.memref_slice %arg6[%rem3A_222, %dma_start3A_235, %dma_start3A_236] : memref<8x128x32xf32, #tpu.memory_space<vmem>> -> memref<1x128x32xf32, #tpu.memory_space<vmem>>
      %dma_start3A_238 = tpu.memref_squeeze %dma_start3A_237 : memref<1x128x32xf32, #tpu.memory_space<vmem>> -> memref<128x32xf32, #tpu.memory_space<vmem>>
      %dma_start3A_239 = arith.constant 0 : i32
      %dma_start3A_240 = tpu.memref_slice %arg4[%add3A_221, %mul3A_2, %dma_start3A_239] : memref<200x4096x32xf32, #tpu.memory_space<hbm>> -> memref<1x128x32xf32, #tpu.memory_space<hbm>>
      %dma_start3A_241 = tpu.memref_squeeze %dma_start3A_240 : memref<1x128x32xf32, #tpu.memory_space<hbm>> -> memref<128x32xf32, #tpu.memory_space<hbm>>
      %dma_start3A_242 = tpu.memref_slice %arg8[%rem3A_222] : memref<8x!tpu.dma_semaphore, #tpu.memory_space<semaphore_mem>> -> memref<1x!tpu.dma_semaphore, #tpu.memory_space<semaphore_mem>>
      %dma_start3A_243 = tpu.memref_squeeze %dma_start3A_242 : memref<1x!tpu.dma_semaphore, #tpu.memory_space<semaphore_mem>> -> memref<!tpu.dma_semaphore, #tpu.memory_space<semaphore_mem>>
      %dma_start3A_244 = arith.constant 0 : i32
      %dma_start3A_245 = tpu.memref_slice %arg4[%add3A_221, %mul3A_2, %dma_start3A_244] : memref<200x4096x32xf32, #tpu.memory_space<hbm>> -> memref<1x128x32xf32, #tpu.memory_space<hbm>>
      %dma_start3A_246 = tpu.memref_squeeze %dma_start3A_245 : memref<1x128x32xf32, #tpu.memory_space<hbm>> -> memref<128x32xf32, #tpu.memory_space<hbm>>
      %dma_start3A_247 = arith.constant 0 : i32
      %dma_start3A_248 = arith.constant 0 : i32
      %dma_start3A_249 = tpu.memref_slice %arg6[%rem3A_222, %dma_start3A_247, %dma_start3A_248] : memref<8x128x32xf32, #tpu.memory_space<vmem>> -> memref<1x128x32xf32, #tpu.memory_space<vmem>>
      %dma_start3A_250 = tpu.memref_squeeze %dma_start3A_249 : memref<1x128x32xf32, #tpu.memory_space<vmem>> -> memref<128x32xf32, #tpu.memory_space<vmem>>
      tpu.enqueue_dma source(%dma_start3A_250 : memref<128x32xf32, #tpu.memory_space<vmem>>) target(%dma_start3A_246 : memref<128x32xf32, #tpu.memory_space<hbm>>) target_semaphore(%dma_start3A_243 : memref<!tpu.dma_semaphore, #tpu.memory_space<semaphore_mem>>)
      %add3A_251 = arith.constant 4 : i32
      %add3A_252 = arith.addi %add3A_221, %add3A_251 : i32
      %rem3A_253 = arith.constant 8 : i32
      %rem3A_254 = arith.remsi %add3A_252, %rem3A_253 : i32
      %lt3A = arith.constant 200 : i32
      %lt3A_255 = arith.cmpi slt, %add3A_252, %lt3A : i32
      %convert_element_type3A = arith.extui %lt3A_255 : i1 to i32
      %cond3A = arith.constant 0 : i32
      %cond3A_256 = arith.cmpi ne, %convert_element_type3A, %cond3A : i32
      scf.if %cond3A_256 {
        %ge3A = arith.constant 8 : i32
        %ge3A_257 = arith.cmpi sge, %add3A_252, %ge3A : i32
        %convert_element_type3A_258 = arith.extui %ge3A_257 : i1 to i32
        %cond3A_259 = arith.constant 0 : i32
        %cond3A_260 = arith.cmpi ne, %convert_element_type3A_258, %cond3A_259 : i32
        scf.if %cond3A_260 {
          %sub3A = arith.constant 8 : i32
          %sub3A_273 = arith.subi %add3A_252, %sub3A : i32
          %dma_wait3A_274 = arith.constant 0 : i32
          %dma_wait3A_275 = arith.constant 0 : i32
          %dma_wait3A_276 = tpu.memref_slice %arg6[%rem3A_254, %dma_wait3A_274, %dma_wait3A_275] : memref<8x128x32xf32, #tpu.memory_space<vmem>> -> memref<1x128x32xf32, #tpu.memory_space<vmem>>
          %dma_wait3A_277 = tpu.memref_squeeze %dma_wait3A_276 : memref<1x128x32xf32, #tpu.memory_space<vmem>> -> memref<128x32xf32, #tpu.memory_space<vmem>>
          %dma_wait3A_278 = arith.constant 0 : i32
          %dma_wait3A_279 = tpu.memref_slice %arg4[%sub3A_273, %mul3A_2, %dma_wait3A_278] : memref<200x4096x32xf32, #tpu.memory_space<hbm>> -> memref<1x128x32xf32, #tpu.memory_space<hbm>>
          %dma_wait3A_280 = tpu.memref_squeeze %dma_wait3A_279 : memref<1x128x32xf32, #tpu.memory_space<hbm>> -> memref<128x32xf32, #tpu.memory_space<hbm>>
          %dma_wait3A_281 = tpu.memref_slice %arg8[%rem3A_254] : memref<8x!tpu.dma_semaphore, #tpu.memory_space<semaphore_mem>> -> memref<1x!tpu.dma_semaphore, #tpu.memory_space<semaphore_mem>>
          %dma_wait3A_282 = tpu.memref_squeeze %dma_wait3A_281 : memref<1x!tpu.dma_semaphore, #tpu.memory_space<semaphore_mem>> -> memref<!tpu.dma_semaphore, #tpu.memory_space<semaphore_mem>>
          %dma_wait3A_283 = arith.constant 0 : i32
          %dma_wait3A_284 = tpu.memref_slice %arg4[%sub3A_273, %mul3A_2, %dma_wait3A_283] : memref<200x4096x32xf32, #tpu.memory_space<hbm>> -> memref<1x128x32xf32, #tpu.memory_space<hbm>>
          %dma_wait3A_285 = tpu.memref_squeeze %dma_wait3A_284 : memref<1x128x32xf32, #tpu.memory_space<hbm>> -> memref<128x32xf32, #tpu.memory_space<hbm>>
          %dma_wait3A_286 = arith.constant 0 : i32
          %dma_wait3A_287 = arith.constant 0 : i32
          %dma_wait3A_288 = tpu.memref_slice %arg6[%rem3A_254, %dma_wait3A_286, %dma_wait3A_287] : memref<8x128x32xf32, #tpu.memory_space<vmem>> -> memref<1x128x32xf32, #tpu.memory_space<vmem>>
          %dma_wait3A_289 = tpu.memref_squeeze %dma_wait3A_288 : memref<1x128x32xf32, #tpu.memory_space<vmem>> -> memref<128x32xf32, #tpu.memory_space<vmem>>
          tpu.wait_dma2 semaphore(%dma_wait3A_282 : memref<!tpu.dma_semaphore, #tpu.memory_space<semaphore_mem>>) src(%dma_wait3A_289 : memref<128x32xf32, #tpu.memory_space<vmem>>) dst(%dma_wait3A_285 : memref<128x32xf32, #tpu.memory_space<hbm>>)
        } else {
        }
        %dma_start3A_261 = arith.constant 0 : i32
        %dma_start3A_262 = arith.constant 0 : i32
        %dma_start3A_263 = tpu.memref_slice %arg6[%rem3A_254, %dma_start3A_261, %dma_start3A_262] : memref<8x128x32xf32, #tpu.memory_space<vmem>> -> memref<1x128x32xf32, #tpu.memory_space<vmem>>
        %dma_start3A_264 = tpu.memref_squeeze %dma_start3A_263 : memref<1x128x32xf32, #tpu.memory_space<vmem>> -> memref<128x32xf32, #tpu.memory_space<vmem>>
        %dma_start3A_265 = arith.constant 0 : i32
        %dma_start3A_266 = tpu.memref_slice %arg5[%add3A_252, %dma_start3A_265] : memref<200x128xi32, #tpu.memory_space<vmem>> -> memref<1x128xi32, #tpu.memory_space<vmem>>
        %dma_start3A_267 = tpu.memref_squeeze %dma_start3A_266 : memref<1x128xi32, #tpu.memory_space<vmem>> -> memref<128xi32, #tpu.memory_space<vmem>>
        %dma_start3A_268 = arith.constant 0 : i32
        %dma_start3A_269 = arith.constant 0 : i32
        %dma_start3A_270 = tpu.memref_slice %arg3[%dma_start3A_268, %dma_start3A_269] : memref<1000000x32xf32, #tpu.memory_space<hbm>> -> memref<1000000x32xf32, #tpu.memory_space<hbm>>
        %dma_start3A_271 = tpu.memref_slice %arg7[%rem3A_254] : memref<8x!tpu.dma_semaphore, #tpu.memory_space<semaphore_mem>> -> memref<1x!tpu.dma_semaphore, #tpu.memory_space<semaphore_mem>>
        %dma_start3A_272 = tpu.memref_squeeze %dma_start3A_271 : memref<1x!tpu.dma_semaphore, #tpu.memory_space<semaphore_mem>> -> memref<!tpu.dma_semaphore, #tpu.memory_space<semaphore_mem>>
        tpu.enqueue_indirect_dma source(%dma_start3A_270 : memref<1000000x32xf32, #tpu.memory_space<hbm>>) target(%dma_start3A_264 : memref<128x32xf32, #tpu.memory_space<vmem>>) offsets(%dma_start3A_267 : memref<128xi32, #tpu.memory_space<vmem>>) semaphore(%dma_start3A_272 : memref<!tpu.dma_semaphore, #tpu.memory_space<semaphore_mem>>)
      } else {
      }
    }
    %scan3A_65 = arith.constant 200 : i32
    %dma_wait3A = arith.constant 0 : i32
    %dma_wait3A_66 = arith.constant 192 : i32
    %dma_wait3A_67 = arith.constant 0 : i32
    %dma_wait3A_68 = arith.constant 0 : i32
    %dma_wait3A_69 = arith.constant 0 : i32
    %dma_wait3A_70 = tpu.memref_slice %arg6[%dma_wait3A, %dma_wait3A_68, %dma_wait3A_69] : memref<8x128x32xf32, #tpu.memory_space<vmem>> -> memref<1x128x32xf32, #tpu.memory_space<vmem>>
    %dma_wait3A_71 = tpu.memref_squeeze %dma_wait3A_70 : memref<1x128x32xf32, #tpu.memory_space<vmem>> -> memref<128x32xf32, #tpu.memory_space<vmem>>
    %dma_wait3A_72 = arith.constant 0 : i32
    %dma_wait3A_73 = tpu.memref_slice %arg4[%dma_wait3A_66, %mul3A_2, %dma_wait3A_72] : memref<200x4096x32xf32, #tpu.memory_space<hbm>> -> memref<1x128x32xf32, #tpu.memory_space<hbm>>
    %dma_wait3A_74 = tpu.memref_squeeze %dma_wait3A_73 : memref<1x128x32xf32, #tpu.memory_space<hbm>> -> memref<128x32xf32, #tpu.memory_space<hbm>>
    %dma_wait3A_75 = tpu.memref_slice %arg8[%dma_wait3A_67] : memref<8x!tpu.dma_semaphore, #tpu.memory_space<semaphore_mem>> -> memref<1x!tpu.dma_semaphore, #tpu.memory_space<semaphore_mem>>
    %dma_wait3A_76 = tpu.memref_squeeze %dma_wait3A_75 : memref<1x!tpu.dma_semaphore, #tpu.memory_space<semaphore_mem>> -> memref<!tpu.dma_semaphore, #tpu.memory_space<semaphore_mem>>
    %dma_wait3A_77 = arith.constant 0 : i32
    %dma_wait3A_78 = tpu.memref_slice %arg4[%dma_wait3A_66, %mul3A_2, %dma_wait3A_77] : memref<200x4096x32xf32, #tpu.memory_space<hbm>> -> memref<1x128x32xf32, #tpu.memory_space<hbm>>
    %dma_wait3A_79 = tpu.memref_squeeze %dma_wait3A_78 : memref<1x128x32xf32, #tpu.memory_space<hbm>> -> memref<128x32xf32, #tpu.memory_space<hbm>>
    %dma_wait3A_80 = arith.constant 0 : i32
    %dma_wait3A_81 = arith.constant 0 : i32
    %dma_wait3A_82 = tpu.memref_slice %arg6[%dma_wait3A, %dma_wait3A_80, %dma_wait3A_81] : memref<8x128x32xf32, #tpu.memory_space<vmem>> -> memref<1x128x32xf32, #tpu.memory_space<vmem>>
    %dma_wait3A_83 = tpu.memref_squeeze %dma_wait3A_82 : memref<1x128x32xf32, #tpu.memory_space<vmem>> -> memref<128x32xf32, #tpu.memory_space<vmem>>
    tpu.wait_dma2 semaphore(%dma_wait3A_76 : memref<!tpu.dma_semaphore, #tpu.memory_space<semaphore_mem>>) src(%dma_wait3A_83 : memref<128x32xf32, #tpu.memory_space<vmem>>) dst(%dma_wait3A_79 : memref<128x32xf32, #tpu.memory_space<hbm>>)
    %dma_wait3A_84 = arith.constant 1 : i32
    %dma_wait3A_85 = arith.constant 193 : i32
    %dma_wait3A_86 = arith.constant 1 : i32
    %dma_wait3A_87 = arith.constant 0 : i32
    %dma_wait3A_88 = arith.constant 0 : i32
    %dma_wait3A_89 = tpu.memref_slice %arg6[%dma_wait3A_84, %dma_wait3A_87, %dma_wait3A_88] : memref<8x128x32xf32, #tpu.memory_space<vmem>> -> memref<1x128x32xf32, #tpu.memory_space<vmem>>
    %dma_wait3A_90 = tpu.memref_squeeze %dma_wait3A_89 : memref<1x128x32xf32, #tpu.memory_space<vmem>> -> memref<128x32xf32, #tpu.memory_space<vmem>>
    %dma_wait3A_91 = arith.constant 0 : i32
    %dma_wait3A_92 = tpu.memref_slice %arg4[%dma_wait3A_85, %mul3A_2, %dma_wait3A_91] : memref<200x4096x32xf32, #tpu.memory_space<hbm>> -> memref<1x128x32xf32, #tpu.memory_space<hbm>>
    %dma_wait3A_93 = tpu.memref_squeeze %dma_wait3A_92 : memref<1x128x32xf32, #tpu.memory_space<hbm>> -> memref<128x32xf32, #tpu.memory_space<hbm>>
    %dma_wait3A_94 = tpu.memref_slice %arg8[%dma_wait3A_86] : memref<8x!tpu.dma_semaphore, #tpu.memory_space<semaphore_mem>> -> memref<1x!tpu.dma_semaphore, #tpu.memory_space<semaphore_mem>>
    %dma_wait3A_95 = tpu.memref_squeeze %dma_wait3A_94 : memref<1x!tpu.dma_semaphore, #tpu.memory_space<semaphore_mem>> -> memref<!tpu.dma_semaphore, #tpu.memory_space<semaphore_mem>>
    %dma_wait3A_96 = arith.constant 0 : i32
    %dma_wait3A_97 = tpu.memref_slice %arg4[%dma_wait3A_85, %mul3A_2, %dma_wait3A_96] : memref<200x4096x32xf32, #tpu.memory_space<hbm>> -> memref<1x128x32xf32, #tpu.memory_space<hbm>>
    %dma_wait3A_98 = tpu.memref_squeeze %dma_wait3A_97 : memref<1x128x32xf32, #tpu.memory_space<hbm>> -> memref<128x32xf32, #tpu.memory_space<hbm>>
    %dma_wait3A_99 = arith.constant 0 : i32
    %dma_wait3A_100 = arith.constant 0 : i32
    %dma_wait3A_101 = tpu.memref_slice %arg6[%dma_wait3A_84, %dma_wait3A_99, %dma_wait3A_100] : memref<8x128x32xf32, #tpu.memory_space<vmem>> -> memref<1x128x32xf32, #tpu.memory_space<vmem>>
    %dma_wait3A_102 = tpu.memref_squeeze %dma_wait3A_101 : memref<1x128x32xf32, #tpu.memory_space<vmem>> -> memref<128x32xf32, #tpu.memory_space<vmem>>
    tpu.wait_dma2 semaphore(%dma_wait3A_95 : memref<!tpu.dma_semaphore, #tpu.memory_space<semaphore_mem>>) src(%dma_wait3A_102 : memref<128x32xf32, #tpu.memory_space<vmem>>) dst(%dma_wait3A_98 : memref<128x32xf32, #tpu.memory_space<hbm>>)
    %dma_wait3A_103 = arith.constant 2 : i32
    %dma_wait3A_104 = arith.constant 194 : i32
    %dma_wait3A_105 = arith.constant 2 : i32
    %dma_wait3A_106 = arith.constant 0 : i32
    %dma_wait3A_107 = arith.constant 0 : i32
    %dma_wait3A_108 = tpu.memref_slice %arg6[%dma_wait3A_103, %dma_wait3A_106, %dma_wait3A_107] : memref<8x128x32xf32, #tpu.memory_space<vmem>> -> memref<1x128x32xf32, #tpu.memory_space<vmem>>
    %dma_wait3A_109 = tpu.memref_squeeze %dma_wait3A_108 : memref<1x128x32xf32, #tpu.memory_space<vmem>> -> memref<128x32xf32, #tpu.memory_space<vmem>>
    %dma_wait3A_110 = arith.constant 0 : i32
    %dma_wait3A_111 = tpu.memref_slice %arg4[%dma_wait3A_104, %mul3A_2, %dma_wait3A_110] : memref<200x4096x32xf32, #tpu.memory_space<hbm>> -> memref<1x128x32xf32, #tpu.memory_space<hbm>>
    %dma_wait3A_112 = tpu.memref_squeeze %dma_wait3A_111 : memref<1x128x32xf32, #tpu.memory_space<hbm>> -> memref<128x32xf32, #tpu.memory_space<hbm>>
    %dma_wait3A_113 = tpu.memref_slice %arg8[%dma_wait3A_105] : memref<8x!tpu.dma_semaphore, #tpu.memory_space<semaphore_mem>> -> memref<1x!tpu.dma_semaphore, #tpu.memory_space<semaphore_mem>>
    %dma_wait3A_114 = tpu.memref_squeeze %dma_wait3A_113 : memref<1x!tpu.dma_semaphore, #tpu.memory_space<semaphore_mem>> -> memref<!tpu.dma_semaphore, #tpu.memory_space<semaphore_mem>>
    %dma_wait3A_115 = arith.constant 0 : i32
    %dma_wait3A_116 = tpu.memref_slice %arg4[%dma_wait3A_104, %mul3A_2, %dma_wait3A_115] : memref<200x4096x32xf32, #tpu.memory_space<hbm>> -> memref<1x128x32xf32, #tpu.memory_space<hbm>>
    %dma_wait3A_117 = tpu.memref_squeeze %dma_wait3A_116 : memref<1x128x32xf32, #tpu.memory_space<hbm>> -> memref<128x32xf32, #tpu.memory_space<hbm>>
    %dma_wait3A_118 = arith.constant 0 : i32
    %dma_wait3A_119 = arith.constant 0 : i32
    %dma_wait3A_120 = tpu.memref_slice %arg6[%dma_wait3A_103, %dma_wait3A_118, %dma_wait3A_119] : memref<8x128x32xf32, #tpu.memory_space<vmem>> -> memref<1x128x32xf32, #tpu.memory_space<vmem>>
    %dma_wait3A_121 = tpu.memref_squeeze %dma_wait3A_120 : memref<1x128x32xf32, #tpu.memory_space<vmem>> -> memref<128x32xf32, #tpu.memory_space<vmem>>
    tpu.wait_dma2 semaphore(%dma_wait3A_114 : memref<!tpu.dma_semaphore, #tpu.memory_space<semaphore_mem>>) src(%dma_wait3A_121 : memref<128x32xf32, #tpu.memory_space<vmem>>) dst(%dma_wait3A_117 : memref<128x32xf32, #tpu.memory_space<hbm>>)
    %dma_wait3A_122 = arith.constant 3 : i32
    %dma_wait3A_123 = arith.constant 195 : i32
    %dma_wait3A_124 = arith.constant 3 : i32
    %dma_wait3A_125 = arith.constant 0 : i32
    %dma_wait3A_126 = arith.constant 0 : i32
    %dma_wait3A_127 = tpu.memref_slice %arg6[%dma_wait3A_122, %dma_wait3A_125, %dma_wait3A_126] : memref<8x128x32xf32, #tpu.memory_space<vmem>> -> memref<1x128x32xf32, #tpu.memory_space<vmem>>
    %dma_wait3A_128 = tpu.memref_squeeze %dma_wait3A_127 : memref<1x128x32xf32, #tpu.memory_space<vmem>> -> memref<128x32xf32, #tpu.memory_space<vmem>>
    %dma_wait3A_129 = arith.constant 0 : i32
    %dma_wait3A_130 = tpu.memref_slice %arg4[%dma_wait3A_123, %mul3A_2, %dma_wait3A_129] : memref<200x4096x32xf32, #tpu.memory_space<hbm>> -> memref<1x128x32xf32, #tpu.memory_space<hbm>>
    %dma_wait3A_131 = tpu.memref_squeeze %dma_wait3A_130 : memref<1x128x32xf32, #tpu.memory_space<hbm>> -> memref<128x32xf32, #tpu.memory_space<hbm>>
    %dma_wait3A_132 = tpu.memref_slice %arg8[%dma_wait3A_124] : memref<8x!tpu.dma_semaphore, #tpu.memory_space<semaphore_mem>> -> memref<1x!tpu.dma_semaphore, #tpu.memory_space<semaphore_mem>>
    %dma_wait3A_133 = tpu.memref_squeeze %dma_wait3A_132 : memref<1x!tpu.dma_semaphore, #tpu.memory_space<semaphore_mem>> -> memref<!tpu.dma_semaphore, #tpu.memory_space<semaphore_mem>>
    %dma_wait3A_134 = arith.constant 0 : i32
    %dma_wait3A_135 = tpu.memref_slice %arg4[%dma_wait3A_123, %mul3A_2, %dma_wait3A_134] : memref<200x4096x32xf32, #tpu.memory_space<hbm>> -> memref<1x128x32xf32, #tpu.memory_space<hbm>>
    %dma_wait3A_136 = tpu.memref_squeeze %dma_wait3A_135 : memref<1x128x32xf32, #tpu.memory_space<hbm>> -> memref<128x32xf32, #tpu.memory_space<hbm>>
    %dma_wait3A_137 = arith.constant 0 : i32
    %dma_wait3A_138 = arith.constant 0 : i32
    %dma_wait3A_139 = tpu.memref_slice %arg6[%dma_wait3A_122, %dma_wait3A_137, %dma_wait3A_138] : memref<8x128x32xf32, #tpu.memory_space<vmem>> -> memref<1x128x32xf32, #tpu.memory_space<vmem>>
    %dma_wait3A_140 = tpu.memref_squeeze %dma_wait3A_139 : memref<1x128x32xf32, #tpu.memory_space<vmem>> -> memref<128x32xf32, #tpu.memory_space<vmem>>
    tpu.wait_dma2 semaphore(%dma_wait3A_133 : memref<!tpu.dma_semaphore, #tpu.memory_space<semaphore_mem>>) src(%dma_wait3A_140 : memref<128x32xf32, #tpu.memory_space<vmem>>) dst(%dma_wait3A_136 : memref<128x32xf32, #tpu.memory_space<hbm>>)
    %dma_wait3A_141 = arith.constant 4 : i32
    %dma_wait3A_142 = arith.constant 196 : i32
    %dma_wait3A_143 = arith.constant 4 : i32
    %dma_wait3A_144 = arith.constant 0 : i32
    %dma_wait3A_145 = arith.constant 0 : i32
    %dma_wait3A_146 = tpu.memref_slice %arg6[%dma_wait3A_141, %dma_wait3A_144, %dma_wait3A_145] : memref<8x128x32xf32, #tpu.memory_space<vmem>> -> memref<1x128x32xf32, #tpu.memory_space<vmem>>
    %dma_wait3A_147 = tpu.memref_squeeze %dma_wait3A_146 : memref<1x128x32xf32, #tpu.memory_space<vmem>> -> memref<128x32xf32, #tpu.memory_space<vmem>>
    %dma_wait3A_148 = arith.constant 0 : i32
    %dma_wait3A_149 = tpu.memref_slice %arg4[%dma_wait3A_142, %mul3A_2, %dma_wait3A_148] : memref<200x4096x32xf32, #tpu.memory_space<hbm>> -> memref<1x128x32xf32, #tpu.memory_space<hbm>>
    %dma_wait3A_150 = tpu.memref_squeeze %dma_wait3A_149 : memref<1x128x32xf32, #tpu.memory_space<hbm>> -> memref<128x32xf32, #tpu.memory_space<hbm>>
    %dma_wait3A_151 = tpu.memref_slice %arg8[%dma_wait3A_143] : memref<8x!tpu.dma_semaphore, #tpu.memory_space<semaphore_mem>> -> memref<1x!tpu.dma_semaphore, #tpu.memory_space<semaphore_mem>>
    %dma_wait3A_152 = tpu.memref_squeeze %dma_wait3A_151 : memref<1x!tpu.dma_semaphore, #tpu.memory_space<semaphore_mem>> -> memref<!tpu.dma_semaphore, #tpu.memory_space<semaphore_mem>>
    %dma_wait3A_153 = arith.constant 0 : i32
    %dma_wait3A_154 = tpu.memref_slice %arg4[%dma_wait3A_142, %mul3A_2, %dma_wait3A_153] : memref<200x4096x32xf32, #tpu.memory_space<hbm>> -> memref<1x128x32xf32, #tpu.memory_space<hbm>>
    %dma_wait3A_155 = tpu.memref_squeeze %dma_wait3A_154 : memref<1x128x32xf32, #tpu.memory_space<hbm>> -> memref<128x32xf32, #tpu.memory_space<hbm>>
    %dma_wait3A_156 = arith.constant 0 : i32
    %dma_wait3A_157 = arith.constant 0 : i32
    %dma_wait3A_158 = tpu.memref_slice %arg6[%dma_wait3A_141, %dma_wait3A_156, %dma_wait3A_157] : memref<8x128x32xf32, #tpu.memory_space<vmem>> -> memref<1x128x32xf32, #tpu.memory_space<vmem>>
    %dma_wait3A_159 = tpu.memref_squeeze %dma_wait3A_158 : memref<1x128x32xf32, #tpu.memory_space<vmem>> -> memref<128x32xf32, #tpu.memory_space<vmem>>
    tpu.wait_dma2 semaphore(%dma_wait3A_152 : memref<!tpu.dma_semaphore, #tpu.memory_space<semaphore_mem>>) src(%dma_wait3A_159 : memref<128x32xf32, #tpu.memory_space<vmem>>) dst(%dma_wait3A_155 : memref<128x32xf32, #tpu.memory_space<hbm>>)
    %dma_wait3A_160 = arith.constant 5 : i32
    %dma_wait3A_161 = arith.constant 197 : i32
    %dma_wait3A_162 = arith.constant 5 : i32
    %dma_wait3A_163 = arith.constant 0 : i32
    %dma_wait3A_164 = arith.constant 0 : i32
    %dma_wait3A_165 = tpu.memref_slice %arg6[%dma_wait3A_160, %dma_wait3A_163, %dma_wait3A_164] : memref<8x128x32xf32, #tpu.memory_space<vmem>> -> memref<1x128x32xf32, #tpu.memory_space<vmem>>
    %dma_wait3A_166 = tpu.memref_squeeze %dma_wait3A_165 : memref<1x128x32xf32, #tpu.memory_space<vmem>> -> memref<128x32xf32, #tpu.memory_space<vmem>>
    %dma_wait3A_167 = arith.constant 0 : i32
    %dma_wait3A_168 = tpu.memref_slice %arg4[%dma_wait3A_161, %mul3A_2, %dma_wait3A_167] : memref<200x4096x32xf32, #tpu.memory_space<hbm>> -> memref<1x128x32xf32, #tpu.memory_space<hbm>>
    %dma_wait3A_169 = tpu.memref_squeeze %dma_wait3A_168 : memref<1x128x32xf32, #tpu.memory_space<hbm>> -> memref<128x32xf32, #tpu.memory_space<hbm>>
    %dma_wait3A_170 = tpu.memref_slice %arg8[%dma_wait3A_162] : memref<8x!tpu.dma_semaphore, #tpu.memory_space<semaphore_mem>> -> memref<1x!tpu.dma_semaphore, #tpu.memory_space<semaphore_mem>>
    %dma_wait3A_171 = tpu.memref_squeeze %dma_wait3A_170 : memref<1x!tpu.dma_semaphore, #tpu.memory_space<semaphore_mem>> -> memref<!tpu.dma_semaphore, #tpu.memory_space<semaphore_mem>>
    %dma_wait3A_172 = arith.constant 0 : i32
    %dma_wait3A_173 = tpu.memref_slice %arg4[%dma_wait3A_161, %mul3A_2, %dma_wait3A_172] : memref<200x4096x32xf32, #tpu.memory_space<hbm>> -> memref<1x128x32xf32, #tpu.memory_space<hbm>>
    %dma_wait3A_174 = tpu.memref_squeeze %dma_wait3A_173 : memref<1x128x32xf32, #tpu.memory_space<hbm>> -> memref<128x32xf32, #tpu.memory_space<hbm>>
    %dma_wait3A_175 = arith.constant 0 : i32
    %dma_wait3A_176 = arith.constant 0 : i32
    %dma_wait3A_177 = tpu.memref_slice %arg6[%dma_wait3A_160, %dma_wait3A_175, %dma_wait3A_176] : memref<8x128x32xf32, #tpu.memory_space<vmem>> -> memref<1x128x32xf32, #tpu.memory_space<vmem>>
    %dma_wait3A_178 = tpu.memref_squeeze %dma_wait3A_177 : memref<1x128x32xf32, #tpu.memory_space<vmem>> -> memref<128x32xf32, #tpu.memory_space<vmem>>
    tpu.wait_dma2 semaphore(%dma_wait3A_171 : memref<!tpu.dma_semaphore, #tpu.memory_space<semaphore_mem>>) src(%dma_wait3A_178 : memref<128x32xf32, #tpu.memory_space<vmem>>) dst(%dma_wait3A_174 : memref<128x32xf32, #tpu.memory_space<hbm>>)
    %dma_wait3A_179 = arith.constant 6 : i32
    %dma_wait3A_180 = arith.constant 198 : i32
    %dma_wait3A_181 = arith.constant 6 : i32
    %dma_wait3A_182 = arith.constant 0 : i32
    %dma_wait3A_183 = arith.constant 0 : i32
    %dma_wait3A_184 = tpu.memref_slice %arg6[%dma_wait3A_179, %dma_wait3A_182, %dma_wait3A_183] : memref<8x128x32xf32, #tpu.memory_space<vmem>> -> memref<1x128x32xf32, #tpu.memory_space<vmem>>
    %dma_wait3A_185 = tpu.memref_squeeze %dma_wait3A_184 : memref<1x128x32xf32, #tpu.memory_space<vmem>> -> memref<128x32xf32, #tpu.memory_space<vmem>>
    %dma_wait3A_186 = arith.constant 0 : i32
    %dma_wait3A_187 = tpu.memref_slice %arg4[%dma_wait3A_180, %mul3A_2, %dma_wait3A_186] : memref<200x4096x32xf32, #tpu.memory_space<hbm>> -> memref<1x128x32xf32, #tpu.memory_space<hbm>>
    %dma_wait3A_188 = tpu.memref_squeeze %dma_wait3A_187 : memref<1x128x32xf32, #tpu.memory_space<hbm>> -> memref<128x32xf32, #tpu.memory_space<hbm>>
    %dma_wait3A_189 = tpu.memref_slice %arg8[%dma_wait3A_181] : memref<8x!tpu.dma_semaphore, #tpu.memory_space<semaphore_mem>> -> memref<1x!tpu.dma_semaphore, #tpu.memory_space<semaphore_mem>>
    %dma_wait3A_190 = tpu.memref_squeeze %dma_wait3A_189 : memref<1x!tpu.dma_semaphore, #tpu.memory_space<semaphore_mem>> -> memref<!tpu.dma_semaphore, #tpu.memory_space<semaphore_mem>>
    %dma_wait3A_191 = arith.constant 0 : i32
    %dma_wait3A_192 = tpu.memref_slice %arg4[%dma_wait3A_180, %mul3A_2, %dma_wait3A_191] : memref<200x4096x32xf32, #tpu.memory_space<hbm>> -> memref<1x128x32xf32, #tpu.memory_space<hbm>>
    %dma_wait3A_193 = tpu.memref_squeeze %dma_wait3A_192 : memref<1x128x32xf32, #tpu.memory_space<hbm>> -> memref<128x32xf32, #tpu.memory_space<hbm>>
    %dma_wait3A_194 = arith.constant 0 : i32
    %dma_wait3A_195 = arith.constant 0 : i32
    %dma_wait3A_196 = tpu.memref_slice %arg6[%dma_wait3A_179, %dma_wait3A_194, %dma_wait3A_195] : memref<8x128x32xf32, #tpu.memory_space<vmem>> -> memref<1x128x32xf32, #tpu.memory_space<vmem>>
    %dma_wait3A_197 = tpu.memref_squeeze %dma_wait3A_196 : memref<1x128x32xf32, #tpu.memory_space<vmem>> -> memref<128x32xf32, #tpu.memory_space<vmem>>
    tpu.wait_dma2 semaphore(%dma_wait3A_190 : memref<!tpu.dma_semaphore, #tpu.memory_space<semaphore_mem>>) src(%dma_wait3A_197 : memref<128x32xf32, #tpu.memory_space<vmem>>) dst(%dma_wait3A_193 : memref<128x32xf32, #tpu.memory_space<hbm>>)
    %dma_wait3A_198 = arith.constant 7 : i32
    %dma_wait3A_199 = arith.constant 199 : i32
    %dma_wait3A_200 = arith.constant 7 : i32
    %dma_wait3A_201 = arith.constant 0 : i32
    %dma_wait3A_202 = arith.constant 0 : i32
    %dma_wait3A_203 = tpu.memref_slice %arg6[%dma_wait3A_198, %dma_wait3A_201, %dma_wait3A_202] : memref<8x128x32xf32, #tpu.memory_space<vmem>> -> memref<1x128x32xf32, #tpu.memory_space<vmem>>
    %dma_wait3A_204 = tpu.memref_squeeze %dma_wait3A_203 : memref<1x128x32xf32, #tpu.memory_space<vmem>> -> memref<128x32xf32, #tpu.memory_space<vmem>>
    %dma_wait3A_205 = arith.constant 0 : i32
    %dma_wait3A_206 = tpu.memref_slice %arg4[%dma_wait3A_199, %mul3A_2, %dma_wait3A_205] : memref<200x4096x32xf32, #tpu.memory_space<hbm>> -> memref<1x128x32xf32, #tpu.memory_space<hbm>>
    %dma_wait3A_207 = tpu.memref_squeeze %dma_wait3A_206 : memref<1x128x32xf32, #tpu.memory_space<hbm>> -> memref<128x32xf32, #tpu.memory_space<hbm>>
    %dma_wait3A_208 = tpu.memref_slice %arg8[%dma_wait3A_200] : memref<8x!tpu.dma_semaphore, #tpu.memory_space<semaphore_mem>> -> memref<1x!tpu.dma_semaphore, #tpu.memory_space<semaphore_mem>>
    %dma_wait3A_209 = tpu.memref_squeeze %dma_wait3A_208 : memref<1x!tpu.dma_semaphore, #tpu.memory_space<semaphore_mem>> -> memref<!tpu.dma_semaphore, #tpu.memory_space<semaphore_mem>>
    %dma_wait3A_210 = arith.constant 0 : i32
    %dma_wait3A_211 = tpu.memref_slice %arg4[%dma_wait3A_199, %mul3A_2, %dma_wait3A_210] : memref<200x4096x32xf32, #tpu.memory_space<hbm>> -> memref<1x128x32xf32, #tpu.memory_space<hbm>>
    %dma_wait3A_212 = tpu.memref_squeeze %dma_wait3A_211 : memref<1x128x32xf32, #tpu.memory_space<hbm>> -> memref<128x32xf32, #tpu.memory_space<hbm>>
    %dma_wait3A_213 = arith.constant 0 : i32
    %dma_wait3A_214 = arith.constant 0 : i32
    %dma_wait3A_215 = tpu.memref_slice %arg6[%dma_wait3A_198, %dma_wait3A_213, %dma_wait3A_214] : memref<8x128x32xf32, #tpu.memory_space<vmem>> -> memref<1x128x32xf32, #tpu.memory_space<vmem>>
    %dma_wait3A_216 = tpu.memref_squeeze %dma_wait3A_215 : memref<1x128x32xf32, #tpu.memory_space<vmem>> -> memref<128x32xf32, #tpu.memory_space<vmem>>
    tpu.wait_dma2 semaphore(%dma_wait3A_209 : memref<!tpu.dma_semaphore, #tpu.memory_space<semaphore_mem>>) src(%dma_wait3A_216 : memref<128x32xf32, #tpu.memory_space<vmem>>) dst(%dma_wait3A_212 : memref<128x32xf32, #tpu.memory_space<hbm>>)
    return
  }
}

</mosaic_0001>

<sc_bundles>
// kernel: kernel.3.cloned.1.call-start
scs
__scs_entry_jumppad:
0x0: {  	(pc) =	sbr.rel $0x88, $3  }
0x1: {  	(tag) =	ssettag $0x0;
	lr =	simm.s32 $0x1  }
0x2: {  	[smem:$0x3F9F] =	sst lr;
	_ =	strace $0xD0000000  }
0x3: {  	_ = 	snop  }
0x4: {  	_ = 	snop  }
0x5: {  	_ = 	snop  }
0x6: {  	_ = 	snop  }
0x7: {  	_ = 	snop  }
__scs_overlays_trampoline_lowered:
0x8: {  	[smem:$0x3FAE] =	sst s0  }
0x9: {  	[smem:$0x3FAF] =	sst s1  }
0xa: {  	[smem:$0x3FB0] =	sst s2  }
0xb: {  	[smem:$0x3FB1] =	sst s3  }
0xc: {  	[smem:$0x3FB2] =	sst s4  }
0xd: {  	[smem:$0x3FB3] =	sst s5  }
0xe: {  	[smem:$0x3FB4] =	sst s6  }
0xf: {  	[smem:$0x3FB5] =	sst s7  }
0x10: {  	[smem:$0x3FB6] =	sst s8  }
0x11: {  	[smem:$0x3FB7] =	sst s9;
	s0 =	simm.s32 @!p0 $0x0  }
0x12: {  	s1 =	sld [smem:$0x3F9D];
	s0 =	simm.s32 @p0 $0x1  }
0x13: {  	[smem:$0x3FB8] =	sst s0;
	s0 =	simm.s32 @!p1 $0x0  }
0x14: {  	s2 =	sld [smem:$0x3F9C];
	s0 =	simm.s32 @p1 $0x1  }
0x15: {  	[smem:$0x3FB9] =	sst s0;
	s0 =	simm.s32 @!p2 $0x0  }
0x16: {  	s3 =	sld [smem:$0x3FDB];
	s0 =	simm.s32 @p2 $0x1  }
0x17: {  	s4 =	simm.s32 $0x1BF5;
	[smem:$0x3FBB] =	sst s0  }
0x18: {  	s0 =	sld [smem:$0x3F9E];
	_ =	swait.ge [sflag:s4], $0x0  }
0x19: {  	s7 =	sld [smem:$0x3F9F]  }
0x1a: {  	s8 =	sadd.s32 $0xFFFFE003, lr  }
0x1b: {  	s9 =	sadd.s32 $0xFFFFFEF7, lr;
	s5 =	simm.s32 $0xFFFFFFFF;
	p2 =	slt.u32 s8, $0xFFFFF086  }
0x1c: {  	p1 =	slt.u32 s9, $0xF7A;
	s5 =	simm.s32 @!p2 $0x0  }
0x1d: {  	s5 =	simm.s32 @p1 $0x1;
	p0 =	seq.s32 s7, s2  }
0x1e: {  	s7 =	smul.u32 @!p0 $0xF7A, s2;
	p2 =	seq.s32 @!p0 s5, $0x0  }
0x1f: {  	s9 =	smul.u32 $0xF7A, s1;
	s8 =	simm.s32 @!p0 $0x1BF5;
	p2 =	por !p2, p0  }
0x20: {  	[sflag:s8] =	ssyncset.s32 @!p0 $0xFFFFF086;
	s6 =	sadd.s32 @!p0 s3, s7;
	s7 =	simm.s32 @!p0 $0x108  }
0x21: {  	s3 =	sadd.s32 s3, s9;
	s6 =	sadd.s32 @!p0 $0x88, s6;
	s7 =	simm.s32 @p2 $0x1082  }
0x22: {  	[simem:s7], [sflag:s8] =	dma.local @!p0 [hbm:s6], $0xF7A  }
0x23: {  	s9 =	sor.u32 $0xD0000000, s2;
	s6 =	simm.s32 $0x108;
	_ =	swait.ge @!p0 [sflag:s8], $0x0  }
0x24: {  	s3 =	sadd.s32 $0x88, s3;
	s6 =	simm.s32 @!p1 $0x1082;
	[sflag:s4] =	ssyncset.s32 $0xFFFFF086  }
0x25: {  	[simem:s6], [sflag:s4] =	dma.local [hbm:s3], $0xF7A  }
0x26: {  	[smem:$0x3F9F] =	sst s1;
	(tag) =	ssettag s2;
	_ =	strace s9  }
0x27: {  	s1 =	sld [smem:$0x3FAF]  }
0x28: {  	s2 =	sld [smem:$0x3FB0]  }
0x29: {  	s4 =	sld [smem:$0x3FB2]  }
0x2a: {  	p0 =	seq.s32 s5, $0x0;
	s5 =	sld [smem:$0x3FB3]  }
0x2b: {  	s6 =	sld [smem:$0x3FB4]  }
0x2c: {  	s7 =	sld [smem:$0x3FB5]  }
0x2d: {  	s3 =	simm.s32 $0x108;
	s8 =	sld [smem:$0x3FB6]  }
0x2e: {  	s3 =	simm.s32 @!p0 $0x1082;
	s9 =	sld [smem:$0x3FB7]  }
0x2f: {  	lr =	sadd.s32 s0, s3;
	s0 =	sld [smem:$0x3FAE]  }
0x30: {  	s3 =	sld [smem:$0x3FB1]  }
0x31: {  	[smem:$0x3FBA] =	sst s10  }
0x32: {  	s10 =	sld [smem:$0x3FB8];
	_ =	sdelay $0x3  }
0x33: {  	p0 =	seq.s32 s10, $0x1;
	s10 =	sld [smem:$0x3FBA];
	_ =	sdelay $0x3  }
0x34: {  	[smem:$0x3FBA] =	sst s10  }
0x35: {  	s10 =	sld [smem:$0x3FB9];
	_ =	sdelay $0x3  }
0x36: {  	p1 =	seq.s32 s10, $0x1;
	s10 =	sld [smem:$0x3FBA];
	_ =	sdelay $0x3  }
0x37: {  	[smem:$0x3FBA] =	sst s10  }
0x38: {  	s10 =	sld [smem:$0x3FBB]  }
0x39: {  	_ = 	snop;
	(pc) =	sbr.ind lr, $3  }
0x3a: {  	_ = 	snop  }
0x3b: {  	_ = 	snop  }
0x3c: {  	p2 =	seq.s32 s10, $0x1;
	s10 =	sld [smem:$0x3FBA]  }
0x3d: {  	_ =	shalt  }
0x3e: {  	_ =	shalt  }
0x3f: {  	_ =	shalt  }
0x40: {  	_ =	shalt  }
0x41: {  	_ =	shalt  }
0x42: {  	_ =	shalt  }
0x43: {  	_ =	shalt  }
0x44: {  	_ =	shalt  }
0x45: {  	_ =	shalt  }
0x46: {  	_ =	shalt  }
0x47: {  	_ =	shalt  }
0x48: {  	_ =	shalt  }
0x49: {  	_ =	shalt  }
0x4a: {  	_ =	shalt  }
0x4b: {  	_ =	shalt  }
0x4c: {  	_ =	shalt  }
0x4d: {  	_ =	shalt  }
0x4e: {  	_ =	shalt  }
0x4f: {  	_ =	shalt  }
0x50: {  	_ =	shalt  }
0x51: {  	_ =	shalt  }
0x52: {  	_ =	shalt  }
0x53: {  	_ =	shalt  }
0x54: {  	_ =	shalt  }
0x55: {  	_ =	shalt  }
0x56: {  	_ =	shalt  }
0x57: {  	_ =	shalt  }
0x58: {  	_ =	shalt  }
0x59: {  	_ =	shalt  }
0x5a: {  	_ =	shalt  }
0x5b: {  	_ =	shalt  }
0x5c: {  	_ =	shalt  }
0x5d: {  	_ =	shalt  }
0x5e: {  	_ =	shalt  }
0x5f: {  	_ =	shalt  }
0x60: {  	_ =	shalt  }
0x61: {  	_ =	shalt  }
0x62: {  	_ =	shalt  }
0x63: {  	_ =	shalt  }
0x64: {  	_ =	shalt  }
0x65: {  	_ =	shalt  }
0x66: {  	_ =	shalt  }
0x67: {  	_ =	shalt  }
0x68: {  	_ =	shalt  }
0x69: {  	_ =	shalt  }
0x6a: {  	_ =	shalt  }
0x6b: {  	_ =	shalt  }
0x6c: {  	_ =	shalt  }
0x6d: {  	_ =	shalt  }
0x6e: {  	_ =	shalt  }
0x6f: {  	_ =	shalt  }
0x70: {  	_ =	shalt  }
0x71: {  	_ =	shalt  }
0x72: {  	_ =	shalt  }
0x73: {  	_ =	shalt  }
0x74: {  	_ =	shalt  }
0x75: {  	_ =	shalt  }
0x76: {  	_ =	shalt  }
0x77: {  	_ =	shalt  }
0x78: {  	_ =	shalt  }
0x79: {  	_ =	shalt  }
0x7a: {  	_ =	shalt  }
0x7b: {  	_ =	shalt  }
0x7c: {  	_ =	shalt  }
0x7d: {  	_ =	shalt  }
0x7e: {  	_ =	shalt  }
0x7f: {  	_ =	shalt  }
0x80: {  	_ =	shalt  }
0x81: {  	_ =	shalt  }
0x82: {  	_ =	shalt  }
0x83: {  	_ =	shalt  }
0x84: {  	_ =	shalt  }
0x85: {  	_ =	shalt  }
0x86: {  	_ =	shalt  }
0x87: {  	_ =	shalt  }
.Lfunc_end0:
.L_simem_size_0:
called_computation.1_lowered:
.L_overlay_start_0:
0x88: {  	s2 =	sld [smem:$0x3FD9]  }
0x89: {  	s3 =	sld [smem:$0x3FFE];
	_ =	sdelay $0x1  }
0x8a: {  	s1 =	srdreg.scid  }
0x8b: {  	s0 =	sand.u32 $0x1, s1  }
0x8c: {  	s17 =	sshll.u32 s0, $0xA;
	s2 =	sadd.s32 s3, s2  }
0x8d: {  	s2 =	sadd.s32 s2, s17  }
0x8e: {  	[smem:$0x3FC6] =	sst s2  }
0x8f: {  	_ = 	snop  }
0x90: {  	s2 =	sld [smem:$0x3FD0];
	(tm) =	ssettm $0x1  }
0x91: {  	s18 =	sld [smem:$0x3FFB];
	_ =	sdelay $0x3  }
0x92: {  	_ =	strace s18  }
0x93: {  	s3 =	sld [smem:$0x3FFC];
	_ =	sdelay $0x3  }
0x94: {  	_ =	strace s3  }
0x95: {  	s3 =	sld [smem:$0x3FFD];
	_ =	sdelay $0x3  }
0x96: {  	_ =	strace s3  }
0x97: {  	_ =	strace $0x8FFFFFFF  }
0x98: {  	s19 =	sld [smem:$0x3FDB];
	_ =	sdelay $0x1  }
0x99: {  	s4 =	simm.s32 $_scs_section_size  }
0x9a: {  	s5 =	simm.s32 $_size__tile_overlayer_lowered;
	s6 =	simm.s32 $_tile_overlayer_lowered  }
0x9b: {  	s22 =	simm.s32 $0x1BFF;
	s21 =	sshll.u32 s6, $0x1;
	s3 =	sadd.s32 s4, s19  }
0x9c: {  	s7 =	simm.s32 $0x0;
	s20 =	sshll.u32 s5, $0x1;
	s5 =	sadd.s32 s21, s3  }
0x9d: {  	[timem:s7], [sflag:s22] =	dma.local [hbm:s5], s20  }
0x9e: {  	_ =	swait.ge [sflag:s22], s20  }
0x9f: {  	s4 =	ssub.s32 $0x0, s20;
	[sflag:s22] =	ssyncset.done $0x0  }
0xa0: {  	[sflag:s22] =	ssyncadd.s32 s4;
	_ =	sdelay $0x1  }
0xa1: {  	s23 =	simm.s32 $0x1B8B  }
0xa2: {  	_ =	swait.ge [sflag:s23], $0x1  }
0xa3: {  	[sflag:s23] =	ssyncset.done $0x0  }
0xa4: {  	s25 =	simm.s32 $0x1B8E;
	s24 =	sld [smem:$0x3FFE];
	[sflag:s23] =	ssyncadd.s32 $0xFFFFFFFF  }
0xa5: {  	s26 =	simm.s32 $execute0_lowered;
	[smem:$0x3FD2] =	sst s25  }
0xa6: {  	s5 =	sshll.u32 s26, $0x1;
	_ =	strace $0x80000046;
	[dreg:$0x1] =	wrdreg $0xFFFFFFFF  }
0xa7: {  	s28 =	simm.s32 $_size_execute0_lowered;
	s3 =	sadd.s32 s3, s5;
	[dreg:$0x0] =	wrdreg $0x0  }
0xa8: {  	s5 =	sshll.u32 s28, $0x1;
	[dreg:$0x2] =	wrdreg s3  }
0xa9: {  	[dreg:$0x3] =	wrdreg s5  }
0xaa: {  	[dreg:$0x4] =	wrdreg $0xC0  }
0xab: {  	_ =	task [dreg:s7], $0x5FFFF  }
0xac: {  	[dreg:$0x1] =	wrdreg $0xFFFFFFFF  }
0xad: {  	[dreg:$0x0] =	wrdreg $0x60  }
0xae: {  	[dreg:$0x2] =	wrdreg s24  }
0xaf: {  	[dreg:$0x3] =	wrdreg s2  }
0xb0: {  	[dreg:$0x4] =	wrdreg $0x9  }
0xb1: {  	_ =	task.clear_ibuf [dreg:s7], $0x5FFFF;
	_ =	strace $0x90000046  }
0xb2: {  	s29 =	simm.s32 $0x9;
	_ =	strace $0x80000048  }
0xb3: {  	_ =	swait.ge [sflag:s29], $0x1  }
0xb4: {  	[sflag:s29] =	ssyncadd.s32 $0xFFFFFFFF  }
0xb5: {  	_ =	strace $0x90000048  }
0xb6: {  	_ =	sfence  }
0xb7: {  	s30 =	sld [smem:$0x0];
	_ =	sdelay $0x2  }
0xb8: {  	s31 =	sshll.u32 s1, $0xD;
	s1 =	sshrl.u32 s1, $0x2  }
0xb9: {  	s3 =	sand.u32 $0x4000, s31;
	s1 =	sadd.s32 s1, s30  }
0xba: {  	s0 =	sor.u32 s3, s0;
	s1 =	sshll.u32 s1, $0x11  }
0xbb: {  	s0 =	sor.u32 s1, s0  }
0xbc: {  	s0 =	sadd.s32 $0x8F2B, s0  }
0xbd: {  	[sflag:s0] =	ssyncadd.remote.s32 $0x1  }
0xbe: {  	_ =	sfence.sel $0xFFFF  }
0xbf: {  	[dreg:$0x0] =	wrdreg $0xFFFFFFFF;
	(pc) =	sbr.abs _section_cstart, $3  }
0xc0: {  	[dreg:$0x1] =	wrdreg $0xFFFFFFFF  }
0xc1: {  	_ =	task.clear_ibuf [dreg:s7], $0x2FFFF;
	_ =	strace $0x9FFFFFFF  }
0xc2: {  	(tm) =	ssettm $0x7FFFFFFF  }
0xc3: {  	_ =	shalt  }
tec
execute0_lowered:
.L_overlay_start_1:
0x0: {  	(tag) =	ssettag $0x1  }
0x1: {  	s0 =	srdreg.scid;
	s1 =	rddreg [dreg:$0x0]  }
0x2: {  	s7 =	stileid.u32;
	s4 =	rddreg [dreg:$0x1]  }
0x3: {  	s2 =	simm.s32 $0x0;
	s9 =	simm.s32 $0x11;
	s10 =	simm.s32 $0x6400  }
0x4: {  	s11 =	simm.s32 $0x7400;
	s12 =	simm.s32 $0x100;
	s13 =	simm.s32 $0x8400  }
0x5: {  	s14 =	simm.s32 $0x180;
	s15 =	simm.s32 $0x9400;
	s16 =	simm.s32 $0x9  }
0x6: {  	s17 =	simm.s32 $0xA;
	s18 =	simm.s32 $0xB;
	s19 =	simm.s32 $0xC  }
0x7: {  	s20 =	simm.s32 $0xD;
	s21 =	simm.s32 $0xE;
	s22 =	simm.s32 $0xF  }
0x8: {  	s23 =	simm.s32 $0x10;
	s24 =	simm.s32 $0x0;
	s0 =	sand.u32 $0x1, s0  }
0x9: {  	s3 =	sshll.u32 s7, $0x8;
	[smem:$0x7FF] =	sst s2;
	s7 =	sshll.u32 s7, $0xA  }
0xa: {  	s5 =	sshll.u32 s0, $0x7;
	_ =	strace $0x80000047;
	s6 =	ssub.s32 $0x2, s0  }
0xb: {  	s31 =	sadd.s32 s7, s4;
	s0 =	sshll.u32 s0, $0x9;
	s3 =	sor.u32 s5, s3  }
0xc: {  	s7 =	simm.s32 $0x80;
	s30 =	sshrl.u32 s6, $0x1;
	s3 =	sshrl.u32 s3, $0x3  }
0xd: {  	s29 =	sadd.s32 s3, s1;
	s3 =	sadd.s32 $0xF42E00, s1;
	s1 =	ssub.s32 s6, s30  }
0xe: {  	s6 =	sadd.s32 s0, s31;
	s4 =	sadd.s32 $0xA00, s29;
	s5 =	smax.u32 s1, $0x1  }
.LBB2_1:
0xf: {  	s0 =	simm.s32 $0x1000  }
0x10: {  	[tilespmem:s2], [sflag:$0x11] =	stream.strided.gather [hbm4b:s4+s7], $0x6400, s0, s7, $0x38;
	[tilespmem:$0xE400] =	vst v63  }
0x11: {  	_ =	swait.ge [sflag:s9], $0x6400  }
0x12: {  	[sflag:s9] =	ssyncset.done $0x0  }
0x13: {  	[sflag:s9] =	ssyncadd.s32 $0xFFFF9C00  }
0x14: {  	[tilespmem:s10], [sflag:$0x1] =	stream.indirect.gather [hbm4b:s3+s7], $0x20, s2, s7, $0xb8;
	[tilespmem:$0xE400] =	vst v63  }
0x15: {  	_ = 	snop  }
0x16: {  	[tilespmem:s11], [sflag:$0x2] =	stream.indirect.gather [hbm4b:s3+s7], $0x20, s7, s7, $0xb8;
	[tilespmem:$0xE400] =	vst v63  }
0x17: {  	s8 =	sand.u32 $0x7, s2;
	s26 =	simm.s32 $0x4;
	p0 =	por $0x0, $0x0  }
0x18: {  	[tilespmem:s13], [sflag:$0x3] =	stream.indirect.gather [hbm4b:s3+s7], $0x20, s12, s7, $0xb8;
	[tilespmem:$0xE400] =	vst v63  }
0x19: {  	s28 =	sadd.s32 $0x4000, s6;
	s1 =	sadd.s32 $0x1, s8;
	s25 =	sadd.s32 $0x9, s8  }
0x1a: {  	[tilespmem:s15], [sflag:$0x4] =	stream.indirect.gather [hbm4b:s3+s7], $0x20, s14, s7, $0xb8;
	[tilespmem:$0xE400] =	vst v63  }
0x1b: {  	s29 =	sand.u32 $0x7, s26;
	s0 =	sshll.u32 s8, $0xC;
	_ =	swait.ge [sflag:s1], $0x1000  }
0x1c: {  	p1 =	por @!p0 $0x1, $0x1;
	s26 =	simm.s32 $0x1;
	[sflag:s1] =	ssyncset.done $0x0  }
0x1d: {  	s0 =	sadd.s32 $0x6400, s0;
	p2 =	por p1, p0;
	[sflag:s1] =	ssyncadd.s32 $0xFFFFF000  }
0x1e: {  	[hbm4b:s6+s2] =	stream.linear.scatter [tilespmem:s0], [sflag:s25], $0x1000, $0x38;
	[tilespmem:$0xE400] =	vst v63  }
0x1f: {  	s30 =	sadd.s32 @!p2 $0x9, s29;
	s1 =	sadd.s32 @!p0 $0x1, s29;
	s25 =	simm.s32 $0x200  }
0x20: {  	s0 =	sshll.u32 @!p0 s29, $0xC;
	s29 =	simm.s32 $0x200;
	_ =	swait.ge @!p2 [sflag:s30], $0x1000  }
0x21: {  	s31 =	sadd.s32 @!p0 $0x6400, s0;
	s0 =	simm.s32 @!p0 $0x80;
	[sflag:s30] =	ssyncset.done @!p2 $0x0  }
.LBB2_2:
0x22: {  	[sflag:s30] =	ssyncadd.s32 @!p2 $0xFFFFF000  }
0x23: {  	s25 =	sadd.s32 $0x80, s25;
	s30 =	smov.u32 s26;
	s26 =	sadd.s32 $0x1, s26  }
0x24: {  	[tilespmem:s31], [sflag:s1] =	stream.indirect.gather @!p0 [hbm4b:s3+s0], $0x20, s29, s0, $0xb8;
	[tilespmem:$0xE400] =	vst v63  }
0x25: {  	p1 =	sne.s32 s26, $0xC8;
	s29 =	smov.u32 s25  }
0x26: {  	s0 =	sand.u32 $0x7, s30;
	s8 =	sadd.s32 $0x4, s30  }
0x27: {  	p0 =	sgt.u32 s30, $0xC3;
	s1 =	sadd.s32 $0x1, s0;
	s31 =	sadd.s32 $0x9, s0  }
0x28: {  	s8 =	sand.u32 $0x7, s8;
	s0 =	sshll.u32 s0, $0xC;
	_ =	swait.ge [sflag:s1], $0x1000  }
0x29: {  	p2 =	slt.u32 @!p0 s30, $0x4;
	s0 =	sadd.s32 $0x6400, s0;
	[sflag:s1] =	ssyncset.done $0x0  }
.Ltmp0:
0x2a: {  	p2 =	por p2, p0;
	[sflag:s1] =	ssyncadd.s32 $0xFFFFF000;
	(pc) =	sbr.rel @p1 .LBB2_2-.Ltmp0, $4  }
0x2b: {  	[hbm4b:s28+s2] =	stream.linear.scatter [tilespmem:s0], [sflag:s31], $0x1000, $0x38;
	[tilespmem:$0xE400] =	vst v63  }
0x2c: {  	s30 =	sadd.s32 @!p2 $0x9, s8;
	s0 =	sshll.u32 @!p0 s8, $0xC  }
0x2d: {  	s28 =	sadd.s32 $0x4000, s28;
	s31 =	sadd.s32 @!p0 $0x6400, s0;
	_ =	swait.ge @!p2 [sflag:s30], $0x1000  }
0x2e: {  	s1 =	sadd.s32 @!p0 $0x1, s8;
	s0 =	simm.s32 @!p0 $0x80;
	[sflag:s30] =	ssyncset.done @!p2 $0x0  }
0x2f: {  	[sflag:s30] =	ssyncadd.s32 @!p2 $0xFFFFF000  }
0x30: {  	[tilespmem:s31], [sflag:s1] =	stream.indirect.gather @!p0 [hbm4b:s3+s0], $0x20, s29, s0, $0xb8;
	[tilespmem:$0xE400] =	vst v63  }
0x31: {  	_ =	swait.ge [sflag:s16], $0x1000  }
0x32: {  	[sflag:s16] =	ssyncset.done $0x0  }
0x33: {  	[sflag:s16] =	ssyncadd.s32 $0xFFFFF000  }
0x34: {  	_ =	swait.ge [sflag:s17], $0x1000  }
0x35: {  	[sflag:s17] =	ssyncset.done $0x0  }
0x36: {  	[sflag:s17] =	ssyncadd.s32 $0xFFFFF000  }
0x37: {  	_ =	swait.ge [sflag:s18], $0x1000  }
0x38: {  	[sflag:s18] =	ssyncset.done $0x0  }
0x39: {  	[sflag:s18] =	ssyncadd.s32 $0xFFFFF000  }
0x3a: {  	_ =	swait.ge [sflag:s19], $0x1000  }
0x3b: {  	[sflag:s19] =	ssyncset.done $0x0  }
0x3c: {  	[sflag:s19] =	ssyncadd.s32 $0xFFFFF000  }
0x3d: {  	_ =	swait.ge [sflag:s20], $0x1000  }
0x3e: {  	[sflag:s20] =	ssyncset.done $0x0  }
0x3f: {  	[sflag:s20] =	ssyncadd.s32 $0xFFFFF000  }
0x40: {  	_ =	swait.ge [sflag:s21], $0x1000  }
0x41: {  	[sflag:s21] =	ssyncset.done $0x0  }
0x42: {  	s24 =	sadd.s32 $0x1, s24;
	[sflag:s21] =	ssyncadd.s32 $0xFFFFF000  }
0x43: {  	p0 =	sne.s32 s24, s5;
	_ =	swait.ge [sflag:s22], $0x1000  }
.Ltmp1:
0x44: {  	[sflag:s22] =	ssyncset.done $0x0;
	(pc) =	sbr.rel @p0 .LBB2_1-.Ltmp1, $4  }
0x45: {  	[sflag:s22] =	ssyncadd.s32 $0xFFFFF000  }
0x46: {  	_ =	swait.ge [sflag:s23], $0x1000  }
0x47: {  	[sflag:s23] =	ssyncset.done $0x0  }
0x48: {  	[sflag:s23] =	ssyncadd.s32 $0xFFFFF000  }
0x49: {  	_ =	sfence.sel $0x180000  }
0x4a: {  	[bflag:$0x0] =	sbarrier.arrive $0xFFFF  }
0x4b: {  	_ =	strace $0x90000047  }
0x4c: {  	s0 =	stileid.u32;
	[bflag:$0x2] =	sbarrier.arrive $0xFFFF  }
0x4d: {  	p0 =	sne.s32 s0, $0x0;
	s0 =	rddreg [dreg:$0x2]  }
0x4e: {  	s0 =	sadd.s32 @!p0 $0x100000, s0  }
0x4f: {  	[sflag:s0] =	ssyncadd.tile.s32 @!p0 $0x1;
	_ =	shalt  }
.Lfunc_end2:
_tile_overlayer_lowered:
.L_overlay_start_2:
0x50: {  	(tag) =	ssettag $0x2  }
0x51: {  	s0 =	rddreg [dreg:$0x0];
	s2 =	stileid.u32  }
0x52: {  	s1 =	rddreg [dreg:$0x1];
	p0 =	sne.s32 s2, $0x0  }
0x53: {  	s3 =	rddreg [dreg:$0x2];
	[bflag:$0x3] =	sbarrier.arrive $0xFFFF;
	s2 =	simm.s32 @!p0 $0x1C11  }
0x54: {  	[timem:s3], [sflag:s2] =	dma.local @!p0 [hbm:s0], s1  }
0x55: {  	s0 =	simm.s32 @!p0 $0x11  }
0x56: {  	_ =	swait.ge @!p0 [sflag:s0], s1  }
0x57: {  	s1 =	ssub.s32 @!p0 $0x0, s1;
	[sflag:s0] =	ssyncset.done @!p0 $0x0  }
0x58: {  	[sflag:s0] =	ssyncadd.s32 @!p0 s1  }
0x59: {  	[bflag:$0x3] =	sbarrier.arrive $0xFFFF  }
0x5a: {  	_ =	shalt  }

// kernel: sparse-core-data-format-call.cloned.1.call-start
scs
called_computation_lowered:
.L_overlay_start_0:
0x0: {  	s2 =	sld [smem:$0x3FD9]  }
0x1: {  	s3 =	sld [smem:$0x3FFE];
	_ =	sdelay $0x1  }
0x2: {  	s1 =	srdreg.scid  }
0x3: {  	s0 =	sand.u32 $0x1, s1  }
0x4: {  	s18 =	sshll.u32 s0, $0xA;
	s2 =	sadd.s32 s3, s2  }
0x5: {  	s2 =	sadd.s32 s2, s18  }
0x6: {  	[smem:$0x3FC6] =	sst s2  }
0x7: {  	_ = 	snop  }
0x8: {  	s2 =	sld [smem:$0x3FD0];
	(tm) =	ssettm $0x1  }
0x9: {  	s19 =	sld [smem:$0x3FFB];
	_ =	sdelay $0x3  }
0xa: {  	_ =	strace s19  }
0xb: {  	s3 =	sld [smem:$0x3FFC];
	_ =	sdelay $0x3  }
0xc: {  	_ =	strace s3  }
0xd: {  	s3 =	sld [smem:$0x3FFD];
	_ =	sdelay $0x3  }
0xe: {  	_ =	strace s3  }
0xf: {  	_ =	strace $0x8FFFFFFF  }
0x10: {  	s20 =	sld [smem:$0x3FDB];
	_ =	sdelay $0x1  }
0x11: {  	s4 =	simm.s32 $_scs_section_size  }
0x12: {  	s5 =	simm.s32 $_size__tile_overlayer_lowered;
	s6 =	simm.s32 $_tile_overlayer_lowered  }
0x13: {  	s23 =	simm.s32 $0x1BFF;
	s22 =	sshll.u32 s6, $0x1;
	s3 =	sadd.s32 s4, s20  }
0x14: {  	s7 =	simm.s32 $0x0;
	s21 =	sshll.u32 s5, $0x1;
	s5 =	sadd.s32 s22, s3  }
0x15: {  	[timem:s7], [sflag:s23] =	dma.local [hbm:s5], s21  }
0x16: {  	_ =	swait.ge [sflag:s23], s21  }
0x17: {  	s4 =	ssub.s32 $0x0, s21;
	[sflag:s23] =	ssyncset.done $0x0  }
0x18: {  	[sflag:s23] =	ssyncadd.s32 s4;
	_ =	sdelay $0x1  }
0x19: {  	s24 =	simm.s32 $0x1B8B  }
0x1a: {  	_ =	swait.ge [sflag:s24], $0x1  }
0x1b: {  	[sflag:s24] =	ssyncset.done $0x0  }
0x1c: {  	s26 =	simm.s32 $0x1B8E;
	s25 =	sld [smem:$0x3FFE];
	[sflag:s24] =	ssyncadd.s32 $0xFFFFFFFF  }
0x1d: {  	s27 =	simm.s32 $execute0_lowered;
	[smem:$0x3FD2] =	sst s26  }
0x1e: {  	s5 =	sshll.u32 s27, $0x1;
	_ =	strace $0x80000049;
	[dreg:$0x1] =	wrdreg $0xFFFFFFFF  }
0x1f: {  	s28 =	simm.s32 $_size_execute0_lowered;
	s3 =	sadd.s32 s3, s5;
	[dreg:$0x0] =	wrdreg $0x0  }
0x20: {  	s5 =	sshll.u32 s28, $0x1;
	[dreg:$0x2] =	wrdreg s3  }
0x21: {  	[dreg:$0x3] =	wrdreg s5  }
0x22: {  	[dreg:$0x4] =	wrdreg $0xC0  }
0x23: {  	_ =	task [dreg:s7], $0x5FFFF  }
0x24: {  	[dreg:$0x1] =	wrdreg $0xFFFFFFFF  }
0x25: {  	[dreg:$0x0] =	wrdreg $0x60  }
0x26: {  	[dreg:$0x2] =	wrdreg s25  }
0x27: {  	[dreg:$0x3] =	wrdreg s2  }
0x28: {  	[dreg:$0x4] =	wrdreg $0x9  }
0x29: {  	_ =	task.clear_ibuf [dreg:s7], $0x5FFFF;
	_ =	strace $0x90000049  }
0x2a: {  	s29 =	simm.s32 $0x9;
	_ =	strace $0x8000004B  }
0x2b: {  	_ =	swait.ge [sflag:s29], $0x1  }
0x2c: {  	[sflag:s29] =	ssyncadd.s32 $0xFFFFFFFF  }
0x2d: {  	_ =	strace $0x9000004B  }
0x2e: {  	_ =	sfence  }
0x2f: {  	s30 =	sld [smem:$0x0];
	_ =	sdelay $0x2  }
0x30: {  	s31 =	sshll.u32 s1, $0xD;
	s1 =	sshrl.u32 s1, $0x2  }
0x31: {  	s3 =	sand.u32 $0x4000, s31;
	s1 =	sadd.s32 s1, s30  }
0x32: {  	s0 =	sor.u32 s3, s0;
	s1 =	sshll.u32 s1, $0x11  }
0x33: {  	s0 =	sor.u32 s1, s0  }
0x34: {  	s0 =	sadd.s32 $0x8F2B, s0  }
0x35: {  	[sflag:s0] =	ssyncadd.remote.s32 $0x1  }
0x36: {  	_ =	sfence.sel $0xFFFF  }
0x37: {  	[dreg:$0x0] =	wrdreg $0xFFFFFFFF;
	(pc) =	sbr.abs _section_cstart, $3  }
0x38: {  	[dreg:$0x1] =	wrdreg $0xFFFFFFFF  }
0x39: {  	_ =	task.clear_ibuf [dreg:s7], $0x2FFFF;
	_ =	strace $0x9FFFFFFF  }
0x3a: {  	(tm) =	ssettm $0x7FFFFFFF  }
0x3b: {  	_ =	shalt  }
tec
execute0_lowered:
.L_overlay_start_1:
0x0: {  	(tag) =	ssettag $0x1  }
0x1: {  	s0 =	srdreg.scid;
	s5 =	rddreg [dreg:$0x0]  }
0x2: {  	s2 =	rddreg [dreg:$0x1];
	s1 =	sshll.u32 s0, $0x4  }
0x3: {  	s9 =	simm.s32 $0x2;
	s0 =	stileid.u32;
	s1 =	sand.u32 $0x10, s1  }
0x4: {  	s15 =	simm.s32 $0x0;
	s11 =	simm.s32 $0x400;
	s4 =	sor.u32 s0, s1  }
0x5: {  	s12 =	simm.s32 $0x8000;
	s16 =	simm.s32 $0x0;
	s3 =	sshll.u32 s4, $0x7  }
0x6: {  	s13 =	simm.s32 $0x0;
	s1 =	rddreg [dreg:$0x2];
	s6 =	ssub.s32 $0x1000, s3  }
0x7: {  	_ =	strace $0x8000004A;
	s8 =	sshll.u32 s4, $0xB;
	s7 =	sand.u32 $0xF80, s6  }
0x8: {  	s4 =	simm.s32 $0x1;
	p0 =	sne.s32 s7, $0x0;
	s7 =	simm.s32 $0x1  }
.Ltmp0:
0x9: {  	s6 =	sshrl.u32 s6, $0xC;
	s7 =	simm.s32 @!p0 $0x0;
	(pc) =	sbr.rel .LBB1_1-.Ltmp0, $4  }
0xa: {  	s14 =	simm.s32 $0x0;
	[sflag:s4] =	ssyncpa.u1 $0x0;
	s6 =	sadd.s32 s7, s6  }
0xb: {  	s10 =	sadd.s32 s8, s5;
	[sflag:s9] =	ssyncpa.u1 $0x0;
	s5 =	smul.u32 $0x32, s6  }
0xc: {  	s8 =	sadd.s32 $0x20A00, s10;
	s9 =	sadd.s32 $0x30A00, s10;
	p0 =	por $0x0, $0x0  }
0xd: {  	s7 =	sadd.s32 $0x10A00, s10;
	s6 =	sadd.s32 $0xA00, s10;
	s10 =	sor.u32 $0x1, s5  }
.LBB1_7:
0xe: {  	s17 =	sadd.s32 $0x4, s13  }
0xf: {  	p2 =	sgt.s32 s17, $0xC7  }
0x10: {  	s17 =	simm.s32 @p2 $0x0;
	p2 =	sne.s32 s14, s10  }
.Ltmp1:
0x11: {  	p1 =	slt.u32 s14, $0x2;
	(pc) =	sbr.rel @!p2 .LBB1_8-.Ltmp1, $4  }
0x12: {  	s15 =	simm.s32 @!p1 $0x2  }
0x13: {  	s18 =	sadd.s32 $0x1, s14;
	s16 =	smov.u32 s13;
	_ =	swait.ge @!p1 [sflag:s15], $0x4000  }
0x14: {  	p0 =	por !p0, !p0;
	s14 =	smov.u32 s18;
	[sflag:s15] =	ssyncset.done @!p1 $0x0  }
0x15: {  	s13 =	smov.u32 s17;
	[sflag:s15] =	ssyncadd.s32 @!p1 $0xFFFFC000;
	s15 =	smov.u32 s3  }
.LBB1_1:
0x16: {  	p1 =	sge.u32 s14, s5  }
0x17: {  	s17 =	sxor.u32 @!p1 $0xFFFFFFFF, s14  }
0x18: {  	s18 =	sshll.u32 @!p1 s13, $0x10;
	s20 =	simm.s32 @!p1 $0x20;
	s17 =	sshll.u32 @!p1 s17, $0xE  }
0x19: {  	s21 =	simm.s32 @!p1 $0x80;
	s19 =	sadd.s32 @!p1 s18, s6;
	s17 =	sand.u32 @!p1 $0x4000, s17  }
0x1a: {  	[tilespmem:s17], [sflag:$0x1] =	stream.strided.gather @!p1 [hbm4b:s19+s20], $0x1000, s21, s20, $0x38;
	[tilespmem:$0x10100] =	vst v63  }
0x1b: {  	s19 =	sadd.s32 @!p1 s18, s7;
	s22 =	sor.u32 @!p1 $0x1000, s17  }
0x1c: {  	[tilespmem:s22], [sflag:$0x1] =	stream.strided.gather @!p1 [hbm4b:s19+s20], $0x1000, s21, s20, $0x38;
	[tilespmem:$0x10100] =	vst v63  }
0x1d: {  	s19 =	sadd.s32 @!p1 s18, s8;
	s22 =	sor.u32 @!p1 $0x2000, s17  }
0x1e: {  	[tilespmem:s22], [sflag:$0x1] =	stream.strided.gather @!p1 [hbm4b:s19+s20], $0x1000, s21, s20, $0x38;
	[tilespmem:$0x10100] =	vst v63  }
0x1f: {  	s31 =	sadd.s32 $0xFFFFFFFF, s14;
	s18 =	sadd.s32 @!p1 s18, s9;
	s17 =	sor.u32 @!p1 $0x3000, s17  }
0x20: {  	[tilespmem:s17], [sflag:$0x1] =	stream.strided.gather @!p1 [hbm4b:s18+s20], $0x1000, s21, s20, $0x38;
	[tilespmem:$0x10100] =	vst v63  }
0x21: {  	p1 =	sge.u32 s31, s5  }
.Ltmp2:
0x22: {  	_ = 	snop;
	(pc) =	sbr.rel @p1 .LBB1_7-.Ltmp2, $1  }
0x23: {  	_ =	sdelay $0x3  }
0x24: {  	s18 =	simm.s32 $0x1;
	s19 =	sand.u32 $0x1, s14  }
0x25: {  	_ =	swait.ge [sflag:s4], $0x4000;
	s18 =	simm.s32 @!p0 $0x0;
	s20 =	smul.u32 $0x10200, s19  }
0x26: {  	[sflag:s4] =	ssyncset.done $0x0;
	s17 =	smul.u32 $0x10200, s18  }
0x27: {  	s18 =	sshll.u32 s18, $0xE;
	[sflag:s4] =	ssyncadd.s32 $0xFFFFC000  }
0x28: {  	s19 =	sor.u32 $0x10, s18;
	s31 =	sshrl.u32 s20, $0x2;
	s17 =	sshrl.u32 s17, $0x2  }
0x29: {  	s20 =	simm.s32 $0x0;
	s18 =	sor.u32 $0x8000, s31;
	s17 =	sor.u32 $0x8000, s17  }
.LBB1_3:
0x2a: {  	v1 =	vld [tilespmem:s19+$0x0]  }
0x2b: {  	v0 =	vld [tilespmem:s19+$0xFFFFFFF0];
	_ =	sdelay $0x2  }
0x2c: {  	s23 =	sadd.s32 $0x0, s17  }
0x2d: {  	s21 =	simm.s32 $0x4;
	s22 =	sadd.s32 $0x20, s19;
	[tilespmem:s23+$0x810 ss:$0x81] =	vst.msk $0xffff, v1  }
.LBB1_4:
0x2e: {  	v1 =	vld [tilespmem:s22+$0x0];
	p1 =	sne.s32 s21, $0x1FC;
	[tilespmem:s23+$0x0 ss:$0x81] =	vst.msk $0xffff, v0;
	s23 =	smov.u32 s21;
	s21 =	sadd.s32 $0x4, s21  }
.Ltmp3:
0x2f: {  	v0 =	vld [tilespmem:s22+$0xFFFFFFF0];
	(pc) =	sbr.rel @p1 .LBB1_4-.Ltmp3, $4  }
0x30: {  	_ = 	snop  }
0x31: {  	s23 =	sshra.s32 s23, $0x2  }
0x32: {  	s23 =	sadd.s32 s23, s17  }
0x33: {  	s22 =	sadd.s32 $0x20, s22;
	[tilespmem:s23+$0x810 ss:$0x81] =	vst.msk $0xffff, v1  }
0x34: {  	s20 =	sadd.s32 $0x1, s20  }
0x35: {  	p1 =	sne.s32 s20, $0x4  }
.Ltmp4:
0x36: {  	_ = 	snop;
	(pc) =	sbr.rel @p1 .LBB1_3-.Ltmp4, $2  }
0x37: {  	_ =	sdelay $0x2  }
0x38: {  	[tilespmem:s23+$0x0 ss:$0x81] =	vst.msk $0xffff, v0;
	s17 =	sadd.s32 $0x1020, s17;
	s19 =	sadd.s32 $0x1000, s19  }
.Ltmp5:
0x39: {  	(pc) =	sbr.rel .LBB1_7-.Ltmp5, $4  }
0x3a: {  	s16 =	sshll.u32 s16, $0xE  }
0x3b: {  	s16 =	sadd.s32 s2, s16  }
0x3c: {  	s15 =	sadd.s32 s15, s16  }
0x3d: {  	[hbm4b:s15+s11] =	stream.strided.scatter [tilespmem:s18], [sflag:$0x2], $0x4000, s12, s11, $0x20;
	[tilespmem:$0x10100] =	vst v63  }
.LBB1_8:
0x3e: {  	_ =	sfence.sel $0x180000  }
0x3f: {  	s2 =	simm.s32 $0x1;
	[bflag:$0x0] =	sbarrier.arrive $0xFFFF  }
0x40: {  	s31 =	simm.s32 $0x2;
	[sflag:s2] =	ssyncpa.u1 $0x1  }
0x41: {  	[sflag:s31] =	ssyncpa.u1 $0x1  }
0x42: {  	p0 =	sne.s32 s0, $0x0;
	_ =	strace $0x9000004A  }
0x43: {  	s0 =	sadd.s32 @!p0 $0x100000, s1;
	[bflag:$0x2] =	sbarrier.arrive $0xFFFF  }
0x44: {  	[sflag:s0] =	ssyncadd.tile.s32 @!p0 $0x1;
	_ =	shalt  }
.Lfunc_end1:
_tile_overlayer_lowered:
.L_overlay_start_2:
0x45: {  	(tag) =	ssettag $0x2  }
0x46: {  	s0 =	rddreg [dreg:$0x0];
	s2 =	stileid.u32  }
0x47: {  	s1 =	rddreg [dreg:$0x1];
	p0 =	sne.s32 s2, $0x0  }
0x48: {  	s3 =	rddreg [dreg:$0x2];
	[bflag:$0x3] =	sbarrier.arrive $0xFFFF;
	s2 =	simm.s32 @!p0 $0x1C01  }
0x49: {  	[timem:s3], [sflag:s2] =	dma.local @!p0 [hbm:s0], s1  }
0x4a: {  	s0 =	simm.s32 @!p0 $0x1  }
0x4b: {  	_ =	swait.ge @!p0 [sflag:s0], s1  }
0x4c: {  	s1 =	ssub.s32 @!p0 $0x0, s1;
	[sflag:s0] =	ssyncset.done @!p0 $0x0  }
0x4d: {  	[sflag:s0] =	ssyncadd.s32 @!p0 s1  }
0x4e: {  	[bflag:$0x3] =	sbarrier.arrive $0xFFFF  }
0x4f: {  	_ =	shalt  }

</sc_bundles>
